<compile_context>
chip_gen: v7x
topology: tpu7x:2x2x1
jax: 0.10.2.dev20260603
libtpu: 0.0.44.dev20260713+nightly
codegen_flags: <defaults>
</compile_context>

<pallas_src>
import functools

import jax
import jax.numpy as jnp
from jax import lax
from jax.experimental import pallas as pl
from jax.experimental.pallas import tpu as pltpu
from jax.experimental.pallas import tpu_sc as plsc

_NC = 2
_NS = 16
_L = 16

_S = 8
_F = 40000
_NW = _NC * _NS
_FT = (_S * _F) // _NW
_TPS = _NW // _S
_CHUNK = 2000
_NCH = _FT // _CHUNK
_CW = _CHUNK * 3
_ITERS = _CHUNK // _L
_VW = 50000 * 2


def _sc_body(v_hbm, f_hbm, out_hbm, vbuf, cb0, cb1, accbuf, vshared, semv, sema, semb):
    c = lax.axis_index("c")
    s = lax.axis_index("s")
    wid = c * _NS + s
    split = wid // _TPS
    q = wid - split * _TPS
    base = split * (_F * 3) + q * (_FT * 3)

    bufs = (cb0, cb1)
    sems = (sema, semb)
    copies = [None, None]
    copies[0] = pltpu.async_copy(f_hbm.at[pl.ds(base, _CW)], cb0, sema)

    @pl.when(s == 0)
    def _():
        pltpu.sync_copy(v_hbm, vshared)

    plsc.subcore_barrier()
    pltpu.async_copy(vshared, vbuf, semv).wait()

    i3 = lax.iota(jnp.int32, _L) * 3
    acc = jnp.zeros((_L,), jnp.float32)

    for k in range(_NCH):
        copies[k % 2].wait()
        if k + 1 < _NCH:
            copies[(k + 1) % 2] = pltpu.async_copy(
                f_hbm.at[pl.ds(base + (k + 1) * _CW, _CW)],
                bufs[(k + 1) % 2],
                sems[(k + 1) % 2],
            )
        cb = bufs[k % 2]

        def body(i, acc, cb=cb):
            p = i3 + i * (3 * _L)
            ia = plsc.load_gather(cb, [p])
            ib = plsc.load_gather(cb, [p + 1])
            ic = plsc.load_gather(cb, [p + 2])
            ia2 = ia + ia
            ib2 = ib + ib
            ic2 = ic + ic
            ax = plsc.load_gather(vbuf, [ia2])
            ay = plsc.load_gather(vbuf, [ia2 + 1])
            bx = plsc.load_gather(vbuf, [ib2])
            by = plsc.load_gather(vbuf, [ib2 + 1])
            cx = plsc.load_gather(vbuf, [ic2])
            cy = plsc.load_gather(vbuf, [ic2 + 1])
            cross = (bx - ax) * (cy - ay) - (by - ay) * (cx - ax)
            return acc + jnp.abs(cross)

        acc = lax.fori_loop(0, _ITERS, body, acc)

    accbuf[...] = acc
    pltpu.sync_copy(accbuf, out_hbm.at[pl.ds(wid * _L, _L)])


_sc_kernel = functools.partial(
    pl.kernel,
    out_type=jax.ShapeDtypeStruct((_NW * _L,), jnp.float32),
    mesh=plsc.VectorSubcoreMesh(core_axis_name="c", subcore_axis_name="s"),
    scratch_types=[
        pltpu.VMEM((_VW,), jnp.float32),
        pltpu.VMEM((_CW,), jnp.int32),
        pltpu.VMEM((_CW,), jnp.int32),
        pltpu.VMEM((_L,), jnp.float32),
        pltpu.VMEM_SHARED((_VW,), jnp.float32),
        pltpu.SemaphoreType.DMA,
        pltpu.SemaphoreType.DMA,
        pltpu.SemaphoreType.DMA,
    ],
    compiler_params=pltpu.CompilerParams(needs_layout_passes=False),
)(_sc_body)


def _tc_body(p_ref, o_ref):
    x = p_ref[...]
    areas = jnp.sum(x, axis=1, keepdims=True) * 0.5
    mean = jnp.mean(areas)
    d = areas - mean
    o_ref[0, 0] = jnp.sum(d * d)


def kernel(V, faces_split):
    v_flat = V.reshape(-1)
    f_flat = faces_split.reshape(-1)
    partials = _sc_kernel(v_flat, f_flat)
    p = partials.reshape(_S, _TPS * _L)
    loss = pl.pallas_call(
        _tc_body,
        out_shape=jax.ShapeDtypeStruct((1, 1), jnp.float32),
        out_specs=pl.BlockSpec(memory_space=pltpu.SMEM),
    )(p)
    return loss[0, 0]

# --- scband reference (transcript-rebuilt; emitter-appended) ---
"""Pipeline reference for scband-equal-area-loss-4415226380358 (READ-ONLY COPY).

The authoritative reference and input builder live on the scoring server;
editing this copy changes nothing except your own understanding.
"""

import jax, jax.numpy as jnp
import numpy as np


def setup_inputs(seed: int = 0) -> dict:
    key = jax.random.key(seed)
    k1, k2 = jax.random.split(key)
    V = jax.random.normal(k1, (50000, 2), dtype=jnp.float32)
    faces_split = jax.random.randint(k2, (8, 40000, 3), 0, 50000, dtype=jnp.int32)
    return {"V": V, "faces_split": faces_split}


def reference(V, faces_split):
    # faces_split: [S, F, 3] int; iterating/vmapping over S mirrors the torch list of face tensors
    def compute_area(faces):
        a = V[faces[:, 0]]
        b = V[faces[:, 1]]
        c = V[faces[:, 2]]
        pad1 = lambda t: jnp.pad(t, ((0, 0), (0, 1)), mode='constant', constant_values=1.0)
        a = pad1(a)
        b = pad1(b)
        c = pad1(c)
        ab = b - a
        ac = c - a
        cross_prod = jnp.cross(ab, ac)
        area = jnp.linalg.norm(cross_prod, axis=1) * 0.5
        return area.sum()

    areas = jax.vmap(compute_area)(faces_split)
    mean_area = jnp.mean(areas)
    loss = jnp.sum((areas - jax.lax.stop_gradient(mean_area)) ** 2)
    return loss

if __name__ == "__main__":
    import jax
    _d = setup_inputs()
    print(jax.jit(kernel)(*tuple(_d.values())))

</pallas_src>

<mosaic_0001>
#map = affine_map<(d0, d1) -> (0)>
module attributes {stable_mosaic.version = 14 : i64} {
  func.func @_sc_body(%arg0: i32, %arg1: i32, %arg2: memref<100000xf32, #tpu.memory_space<hbm>>, %arg3: memref<960000xi32, #tpu.memory_space<hbm>>, %arg4: memref<512xf32, #tpu.memory_space<hbm>>, %arg5: memref<100000xf32, #tpu.memory_space<vmem>>, %arg6: memref<6000xi32, #tpu.memory_space<vmem>>, %arg7: memref<6000xi32, #tpu.memory_space<vmem>>, %arg8: memref<16xf32, #tpu.memory_space<vmem>>, %arg9: memref<100000xf32, #tpu.memory_space<vmem_shared>>, %arg10: memref<!tpu.dma_semaphore, #tpu.memory_space<semaphore_mem>>, %arg11: memref<!tpu.dma_semaphore, #tpu.memory_space<semaphore_mem>>, %arg12: memref<!tpu.dma_semaphore, #tpu.memory_space<semaphore_mem>>) attributes {dimension_semantics = [#tpu.dimension_semantics<core_parallel>, #tpu.dimension_semantics<subcore_parallel>], iteration_bounds = array<i64: 2, 16>, scalar_prefetch = 0 : i64, scratch_operands = 8 : i64, tpu.core_type = #tpu.core_type<sc_vector_subcore>, window_params = [{transform_indices = #map}, {transform_indices = #map}, {transform_indices = #map}]} {
    %mul3A = arith.constant 16 : i32
    %mul3A_0 = arith.muli %arg0, %mul3A : i32
    %add3A = arith.addi %mul3A_0, %arg1 : i32
    %jit3A = arith.constant 4 : i32
    %div3A = arith.divsi %add3A, %jit3A : i32
    %sign3A = arith.constant 0 : i32
    %sign3A_1 = arith.cmpi sgt, %add3A, %sign3A : i32
    %sign3A_2 = arith.extui %sign3A_1 : i1 to i32
    %sign3A_3 = arith.constant 0 : i32
    %sign3A_4 = arith.cmpi slt, %add3A, %sign3A_3 : i32
    %sign3A_5 = arith.extui %sign3A_4 : i1 to i32
    %sign3A_6 = arith.subi %sign3A_2, %sign3A_5 : i32
    %sign3A_7 = arith.constant 0 : i32
    %sign3A_8 = arith.cmpi sgt, %jit3A, %sign3A_7 : i32
    %sign3A_9 = arith.extui %sign3A_8 : i1 to i32
    %sign3A_10 = arith.constant 0 : i32
    %sign3A_11 = arith.cmpi slt, %jit3A, %sign3A_10 : i32
    %sign3A_12 = arith.extui %sign3A_11 : i1 to i32
    %sign3A_13 = arith.subi %sign3A_9, %sign3A_12 : i32
    %ne3A = arith.cmpi ne, %sign3A_6, %sign3A_13 : i32
    %rem3A = arith.remsi %add3A, %jit3A : i32
    %ne3A_14 = arith.constant 0 : i32
    %ne3A_15 = arith.cmpi ne, %rem3A, %ne3A_14 : i32
    %and3A = arith.andi %ne3A, %ne3A_15 : i1
    %sub3A = arith.constant 1 : i32
    %sub3A_16 = arith.subi %div3A, %sub3A : i32
    %select_n3A = arith.select %and3A, %sub3A_16, %div3A : i32
    %mul3A_17 = arith.constant 4 : i32
    %mul3A_18 = arith.muli %select_n3A, %mul3A_17 : i32
    %sub3A_19 = arith.subi %add3A, %mul3A_18 : i32
    %mul3A_20 = arith.constant 120000 : i32
    %mul3A_21 = arith.muli %select_n3A, %mul3A_20 : i32
    %mul3A_22 = arith.constant 30000 : i32
    %mul3A_23 = arith.muli %sub3A_19, %mul3A_22 : i32
    %add3A_24 = arith.addi %mul3A_21, %mul3A_23 : i32
    %dma_start3A = tpu.memref_slice %arg3[%add3A_24] : memref<960000xi32, #tpu.memory_space<hbm>> -> memref<6000xi32, #tpu.memory_space<hbm>>
    %dma_start3A_25 = tpu.memref_slice %arg3[%add3A_24] : memref<960000xi32, #tpu.memory_space<hbm>> -> memref<6000xi32, #tpu.memory_space<hbm>>
    tpu.enqueue_dma source(%dma_start3A_25 : memref<6000xi32, #tpu.memory_space<hbm>>) target(%arg6 : memref<6000xi32, #tpu.memory_space<vmem>>) target_semaphore(%arg11 : memref<!tpu.dma_semaphore, #tpu.memory_space<semaphore_mem>>)
    %eq3A = arith.constant 0 : i32
    %eq3A_26 = arith.cmpi eq, %arg1, %eq3A : i32
    %convert_element_type3A = arith.extui %eq3A_26 : i1 to i32
    %cond3A = arith.constant 0 : i32
    %cond3A_27 = arith.cmpi ne, %convert_element_type3A, %cond3A : i32
    scf.if %cond3A_27 {
      "tpu.region"() ({
        %run_scoped3A = tpu.sem_alloc : memref<!tpu.dma_semaphore, #tpu.memory_space<semaphore_mem>>
        tpu.enqueue_dma source(%arg2 : memref<100000xf32, #tpu.memory_space<hbm>>) target(%arg9 : memref<100000xf32, #tpu.memory_space<vmem_shared>>) target_semaphore(%run_scoped3A : memref<!tpu.dma_semaphore, #tpu.memory_space<semaphore_mem>>)
        tpu.wait_dma2 semaphore(%run_scoped3A : memref<!tpu.dma_semaphore, #tpu.memory_space<semaphore_mem>>) src(%arg2 : memref<100000xf32, #tpu.memory_space<hbm>>) dst(%arg9 : memref<100000xf32, #tpu.memory_space<vmem_shared>>)
        tpu.yield
      }) : () -> ()
    } else {
    }
    %barrier3A = arith.constant 0 : index
    tpu.barrier barrier_id(%barrier3A)
    tpu.enqueue_dma source(%arg9 : memref<100000xf32, #tpu.memory_space<vmem_shared>>) target(%arg5 : memref<100000xf32, #tpu.memory_space<vmem>>) target_semaphore(%arg10 : memref<!tpu.dma_semaphore, #tpu.memory_space<semaphore_mem>>)
    tpu.wait_dma2 semaphore(%arg10 : memref<!tpu.dma_semaphore, #tpu.memory_space<semaphore_mem>>) src(%arg9 : memref<100000xf32, #tpu.memory_space<vmem_shared>>) dst(%arg5 : memref<100000xf32, #tpu.memory_space<vmem>>)
    %iota3A = tpu.iota {dimensions = array<i32: 0>} : vector<16xi32>
    %mul3A_28 = arith.constant 3 : i32
    %mul3A_29 = vector.broadcast %mul3A_28 : i32 to vector<16xi32>
    %mul3A_30 = arith.muli %iota3A, %mul3A_29 : vector<16xi32>
    %broadcast_in_dim3A = arith.constant 0.000000e+00 : f32
    %broadcast_in_dim3A_31 = vector.broadcast %broadcast_in_dim3A : f32 to vector<16xf32>
    %dma_wait3A = tpu.memref_slice %arg3[%add3A_24] : memref<960000xi32, #tpu.memory_space<hbm>> -> memref<6000xi32, #tpu.memory_space<hbm>>
    %dma_wait3A_32 = tpu.memref_slice %arg3[%add3A_24] : memref<960000xi32, #tpu.memory_space<hbm>> -> memref<6000xi32, #tpu.memory_space<hbm>>
    tpu.wait_dma2 semaphore(%arg11 : memref<!tpu.dma_semaphore, #tpu.memory_space<semaphore_mem>>) src(%dma_wait3A_32 : memref<6000xi32, #tpu.memory_space<hbm>>) dst(%arg6 : memref<6000xi32, #tpu.memory_space<vmem>>)
    %add3A_33 = arith.constant 6000 : i32
    %add3A_34 = arith.addi %add3A_24, %add3A_33 : i32
    %dma_start3A_35 = tpu.memref_slice %arg3[%add3A_34] : memref<960000xi32, #tpu.memory_space<hbm>> -> memref<6000xi32, #tpu.memory_space<hbm>>
    %dma_start3A_36 = tpu.memref_slice %arg3[%add3A_34] : memref<960000xi32, #tpu.memory_space<hbm>> -> memref<6000xi32, #tpu.memory_space<hbm>>
    tpu.enqueue_dma source(%dma_start3A_36 : memref<6000xi32, #tpu.memory_space<hbm>>) target(%arg7 : memref<6000xi32, #tpu.memory_space<vmem>>) target_semaphore(%arg12 : memref<!tpu.dma_semaphore, #tpu.memory_space<semaphore_mem>>)
    %scan3A = arith.constant 0 : i32
    %scan3A_37 = arith.constant 125 : i32
    %scan3A_38 = arith.addi %scan3A, %scan3A_37 : i32
    %scan3A_39 = arith.constant 1 : i32
    %scan3A_40 = scf.for %scan3A_89 = %scan3A to %scan3A_38 step %scan3A_39 iter_args(%scan3A_90 = %broadcast_in_dim3A_31) -> (vector<16xf32>)  : i32 {
      %mul3A_91 = arith.constant 48 : i32
      %mul3A_92 = arith.muli %scan3A_89, %mul3A_91 : i32
      %add3A_93 = vector.broadcast %mul3A_92 : i32 to vector<16xi32>
      %add3A_94 = arith.addi %mul3A_30, %add3A_93 : vector<16xi32>
      %gather3A = tpu.vector_load_idx %arg6[%add3A_94] : memref<6000xi32, #tpu.memory_space<vmem>>[vector<16xi32>], vector<16xi32>,
      %add3A_95 = arith.constant 1 : i32
      %add3A_96 = vector.broadcast %add3A_95 : i32 to vector<16xi32>
      %add3A_97 = arith.addi %add3A_94, %add3A_96 : vector<16xi32>
      %gather3A_98 = tpu.vector_load_idx %arg6[%add3A_97] : memref<6000xi32, #tpu.memory_space<vmem>>[vector<16xi32>], vector<16xi32>,
      %add3A_99 = arith.constant 2 : i32
      %add3A_100 = vector.broadcast %add3A_99 : i32 to vector<16xi32>
      %add3A_101 = arith.addi %add3A_94, %add3A_100 : vector<16xi32>
      %gather3A_102 = tpu.vector_load_idx %arg6[%add3A_101] : memref<6000xi32, #tpu.memory_space<vmem>>[vector<16xi32>], vector<16xi32>,
      %add3A_103 = arith.addi %gather3A, %gather3A : vector<16xi32>
      %add3A_104 = arith.addi %gather3A_98, %gather3A_98 : vector<16xi32>
      %add3A_105 = arith.addi %gather3A_102, %gather3A_102 : vector<16xi32>
      %gather3A_106 = tpu.vector_load_idx %arg5[%add3A_103] : memref<100000xf32, #tpu.memory_space<vmem>>[vector<16xi32>], vector<16xf32>,
      %add3A_107 = arith.constant 1 : i32
      %add3A_108 = vector.broadcast %add3A_107 : i32 to vector<16xi32>
      %add3A_109 = arith.addi %add3A_103, %add3A_108 : vector<16xi32>
      %gather3A_110 = tpu.vector_load_idx %arg5[%add3A_109] : memref<100000xf32, #tpu.memory_space<vmem>>[vector<16xi32>], vector<16xf32>,
      %gather3A_111 = tpu.vector_load_idx %arg5[%add3A_104] : memref<100000xf32, #tpu.memory_space<vmem>>[vector<16xi32>], vector<16xf32>,
      %add3A_112 = arith.constant 1 : i32
      %add3A_113 = vector.broadcast %add3A_112 : i32 to vector<16xi32>
      %add3A_114 = arith.addi %add3A_104, %add3A_113 : vector<16xi32>
      %gather3A_115 = tpu.vector_load_idx %arg5[%add3A_114] : memref<100000xf32, #tpu.memory_space<vmem>>[vector<16xi32>], vector<16xf32>,
      %gather3A_116 = tpu.vector_load_idx %arg5[%add3A_105] : memref<100000xf32, #tpu.memory_space<vmem>>[vector<16xi32>], vector<16xf32>,
      %add3A_117 = arith.constant 1 : i32
      %add3A_118 = vector.broadcast %add3A_117 : i32 to vector<16xi32>
      %add3A_119 = arith.addi %add3A_105, %add3A_118 : vector<16xi32>
      %gather3A_120 = tpu.vector_load_idx %arg5[%add3A_119] : memref<100000xf32, #tpu.memory_space<vmem>>[vector<16xi32>], vector<16xf32>,
      %sub3A_121 = arith.subf %gather3A_111, %gather3A_106 : vector<16xf32>
      %sub3A_122 = arith.subf %gather3A_120, %gather3A_110 : vector<16xf32>
      %mul3A_123 = arith.mulf %sub3A_121, %sub3A_122 : vector<16xf32>
      %sub3A_124 = arith.subf %gather3A_115, %gather3A_110 : vector<16xf32>
      %sub3A_125 = arith.subf %gather3A_116, %gather3A_106 : vector<16xf32>
      %mul3A_126 = arith.mulf %sub3A_124, %sub3A_125 : vector<16xf32>
      %sub3A_127 = arith.subf %mul3A_123, %mul3A_126 : vector<16xf32>
      %abs3A = math.absf %sub3A_127 : vector<16xf32>
      %add3A_128 = arith.addf %scan3A_90, %abs3A : vector<16xf32>
      scf.yield %add3A_128 : vector<16xf32>
    }
    %scan3A_41 = arith.constant 125 : i32
    %dma_wait3A_42 = tpu.memref_slice %arg3[%add3A_34] : memref<960000xi32, #tpu.memory_space<hbm>> -> memref<6000xi32, #tpu.memory_space<hbm>>
    %dma_wait3A_43 = tpu.memref_slice %arg3[%add3A_34] : memref<960000xi32, #tpu.memory_space<hbm>> -> memref<6000xi32, #tpu.memory_space<hbm>>
    tpu.wait_dma2 semaphore(%arg12 : memref<!tpu.dma_semaphore, #tpu.memory_space<semaphore_mem>>) src(%dma_wait3A_43 : memref<6000xi32, #tpu.memory_space<hbm>>) dst(%arg7 : memref<6000xi32, #tpu.memory_space<vmem>>)
    %add3A_44 = arith.constant 12000 : i32
    %add3A_45 = arith.addi %add3A_24, %add3A_44 : i32
    %dma_start3A_46 = tpu.memref_slice %arg3[%add3A_45] : memref<960000xi32, #tpu.memory_space<hbm>> -> memref<6000xi32, #tpu.memory_space<hbm>>
    %dma_start3A_47 = tpu.memref_slice %arg3[%add3A_45] : memref<960000xi32, #tpu.memory_space<hbm>> -> memref<6000xi32, #tpu.memory_space<hbm>>
    tpu.enqueue_dma source(%dma_start3A_47 : memref<6000xi32, #tpu.memory_space<hbm>>) target(%arg6 : memref<6000xi32, #tpu.memory_space<vmem>>) target_semaphore(%arg11 : memref<!tpu.dma_semaphore, #tpu.memory_space<semaphore_mem>>)
    %scan3A_48 = arith.constant 0 : i32
    %scan3A_49 = arith.constant 125 : i32
    %scan3A_50 = arith.addi %scan3A_48, %scan3A_49 : i32
    %scan3A_51 = arith.constant 1 : i32
    %scan3A_52 = scf.for %scan3A_89 = %scan3A_48 to %scan3A_50 step %scan3A_51 iter_args(%scan3A_90 = %scan3A_40) -> (vector<16xf32>)  : i32 {
      %mul3A_91 = arith.constant 48 : i32
      %mul3A_92 = arith.muli %scan3A_89, %mul3A_91 : i32
      %add3A_93 = vector.broadcast %mul3A_92 : i32 to vector<16xi32>
      %add3A_94 = arith.addi %mul3A_30, %add3A_93 : vector<16xi32>
      %gather3A = tpu.vector_load_idx %arg7[%add3A_94] : memref<6000xi32, #tpu.memory_space<vmem>>[vector<16xi32>], vector<16xi32>,
      %add3A_95 = arith.constant 1 : i32
      %add3A_96 = vector.broadcast %add3A_95 : i32 to vector<16xi32>
      %add3A_97 = arith.addi %add3A_94, %add3A_96 : vector<16xi32>
      %gather3A_98 = tpu.vector_load_idx %arg7[%add3A_97] : memref<6000xi32, #tpu.memory_space<vmem>>[vector<16xi32>], vector<16xi32>,
      %add3A_99 = arith.constant 2 : i32
      %add3A_100 = vector.broadcast %add3A_99 : i32 to vector<16xi32>
      %add3A_101 = arith.addi %add3A_94, %add3A_100 : vector<16xi32>
      %gather3A_102 = tpu.vector_load_idx %arg7[%add3A_101] : memref<6000xi32, #tpu.memory_space<vmem>>[vector<16xi32>], vector<16xi32>,
      %add3A_103 = arith.addi %gather3A, %gather3A : vector<16xi32>
      %add3A_104 = arith.addi %gather3A_98, %gather3A_98 : vector<16xi32>
      %add3A_105 = arith.addi %gather3A_102, %gather3A_102 : vector<16xi32>
      %gather3A_106 = tpu.vector_load_idx %arg5[%add3A_103] : memref<100000xf32, #tpu.memory_space<vmem>>[vector<16xi32>], vector<16xf32>,
      %add3A_107 = arith.constant 1 : i32
      %add3A_108 = vector.broadcast %add3A_107 : i32 to vector<16xi32>
      %add3A_109 = arith.addi %add3A_103, %add3A_108 : vector<16xi32>
      %gather3A_110 = tpu.vector_load_idx %arg5[%add3A_109] : memref<100000xf32, #tpu.memory_space<vmem>>[vector<16xi32>], vector<16xf32>,
      %gather3A_111 = tpu.vector_load_idx %arg5[%add3A_104] : memref<100000xf32, #tpu.memory_space<vmem>>[vector<16xi32>], vector<16xf32>,
      %add3A_112 = arith.constant 1 : i32
      %add3A_113 = vector.broadcast %add3A_112 : i32 to vector<16xi32>
      %add3A_114 = arith.addi %add3A_104, %add3A_113 : vector<16xi32>
      %gather3A_115 = tpu.vector_load_idx %arg5[%add3A_114] : memref<100000xf32, #tpu.memory_space<vmem>>[vector<16xi32>], vector<16xf32>,
      %gather3A_116 = tpu.vector_load_idx %arg5[%add3A_105] : memref<100000xf32, #tpu.memory_space<vmem>>[vector<16xi32>], vector<16xf32>,
      %add3A_117 = arith.constant 1 : i32
      %add3A_118 = vector.broadcast %add3A_117 : i32 to vector<16xi32>
      %add3A_119 = arith.addi %add3A_105, %add3A_118 : vector<16xi32>
      %gather3A_120 = tpu.vector_load_idx %arg5[%add3A_119] : memref<100000xf32, #tpu.memory_space<vmem>>[vector<16xi32>], vector<16xf32>,
      %sub3A_121 = arith.subf %gather3A_111, %gather3A_106 : vector<16xf32>
      %sub3A_122 = arith.subf %gather3A_120, %gather3A_110 : vector<16xf32>
      %mul3A_123 = arith.mulf %sub3A_121, %sub3A_122 : vector<16xf32>
      %sub3A_124 = arith.subf %gather3A_115, %gather3A_110 : vector<16xf32>
      %sub3A_125 = arith.subf %gather3A_116, %gather3A_106 : vector<16xf32>
      %mul3A_126 = arith.mulf %sub3A_124, %sub3A_125 : vector<16xf32>
      %sub3A_127 = arith.subf %mul3A_123, %mul3A_126 : vector<16xf32>
      %abs3A = math.absf %sub3A_127 : vector<16xf32>
      %add3A_128 = arith.addf %scan3A_90, %abs3A : vector<16xf32>
      scf.yield %add3A_128 : vector<16xf32>
    }
    %scan3A_53 = arith.constant 125 : i32
    %dma_wait3A_54 = tpu.memref_slice %arg3[%add3A_45] : memref<960000xi32, #tpu.memory_space<hbm>> -> memref<6000xi32, #tpu.memory_space<hbm>>
    %dma_wait3A_55 = tpu.memref_slice %arg3[%add3A_45] : memref<960000xi32, #tpu.memory_space<hbm>> -> memref<6000xi32, #tpu.memory_space<hbm>>
    tpu.wait_dma2 semaphore(%arg11 : memref<!tpu.dma_semaphore, #tpu.memory_space<semaphore_mem>>) src(%dma_wait3A_55 : memref<6000xi32, #tpu.memory_space<hbm>>) dst(%arg6 : memref<6000xi32, #tpu.memory_space<vmem>>)
    %add3A_56 = arith.constant 18000 : i32
    %add3A_57 = arith.addi %add3A_24, %add3A_56 : i32
    %dma_start3A_58 = tpu.memref_slice %arg3[%add3A_57] : memref<960000xi32, #tpu.memory_space<hbm>> -> memref<6000xi32, #tpu.memory_space<hbm>>
    %dma_start3A_59 = tpu.memref_slice %arg3[%add3A_57] : memref<960000xi32, #tpu.memory_space<hbm>> -> memref<6000xi32, #tpu.memory_space<hbm>>
    tpu.enqueue_dma source(%dma_start3A_59 : memref<6000xi32, #tpu.memory_space<hbm>>) target(%arg7 : memref<6000xi32, #tpu.memory_space<vmem>>) target_semaphore(%arg12 : memref<!tpu.dma_semaphore, #tpu.memory_space<semaphore_mem>>)
    %scan3A_60 = arith.constant 0 : i32
    %scan3A_61 = arith.constant 125 : i32
    %scan3A_62 = arith.addi %scan3A_60, %scan3A_61 : i32
    %scan3A_63 = arith.constant 1 : i32
    %scan3A_64 = scf.for %scan3A_89 = %scan3A_60 to %scan3A_62 step %scan3A_63 iter_args(%scan3A_90 = %scan3A_52) -> (vector<16xf32>)  : i32 {
      %mul3A_91 = arith.constant 48 : i32
      %mul3A_92 = arith.muli %scan3A_89, %mul3A_91 : i32
      %add3A_93 = vector.broadcast %mul3A_92 : i32 to vector<16xi32>
      %add3A_94 = arith.addi %mul3A_30, %add3A_93 : vector<16xi32>
      %gather3A = tpu.vector_load_idx %arg6[%add3A_94] : memref<6000xi32, #tpu.memory_space<vmem>>[vector<16xi32>], vector<16xi32>,
      %add3A_95 = arith.constant 1 : i32
      %add3A_96 = vector.broadcast %add3A_95 : i32 to vector<16xi32>
      %add3A_97 = arith.addi %add3A_94, %add3A_96 : vector<16xi32>
      %gather3A_98 = tpu.vector_load_idx %arg6[%add3A_97] : memref<6000xi32, #tpu.memory_space<vmem>>[vector<16xi32>], vector<16xi32>,
      %add3A_99 = arith.constant 2 : i32
      %add3A_100 = vector.broadcast %add3A_99 : i32 to vector<16xi32>
      %add3A_101 = arith.addi %add3A_94, %add3A_100 : vector<16xi32>
      %gather3A_102 = tpu.vector_load_idx %arg6[%add3A_101] : memref<6000xi32, #tpu.memory_space<vmem>>[vector<16xi32>], vector<16xi32>,
      %add3A_103 = arith.addi %gather3A, %gather3A : vector<16xi32>
      %add3A_104 = arith.addi %gather3A_98, %gather3A_98 : vector<16xi32>
      %add3A_105 = arith.addi %gather3A_102, %gather3A_102 : vector<16xi32>
      %gather3A_106 = tpu.vector_load_idx %arg5[%add3A_103] : memref<100000xf32, #tpu.memory_space<vmem>>[vector<16xi32>], vector<16xf32>,
      %add3A_107 = arith.constant 1 : i32
      %add3A_108 = vector.broadcast %add3A_107 : i32 to vector<16xi32>
      %add3A_109 = arith.addi %add3A_103, %add3A_108 : vector<16xi32>
      %gather3A_110 = tpu.vector_load_idx %arg5[%add3A_109] : memref<100000xf32, #tpu.memory_space<vmem>>[vector<16xi32>], vector<16xf32>,
      %gather3A_111 = tpu.vector_load_idx %arg5[%add3A_104] : memref<100000xf32, #tpu.memory_space<vmem>>[vector<16xi32>], vector<16xf32>,
      %add3A_112 = arith.constant 1 : i32
      %add3A_113 = vector.broadcast %add3A_112 : i32 to vector<16xi32>
      %add3A_114 = arith.addi %add3A_104, %add3A_113 : vector<16xi32>
      %gather3A_115 = tpu.vector_load_idx %arg5[%add3A_114] : memref<100000xf32, #tpu.memory_space<vmem>>[vector<16xi32>], vector<16xf32>,
      %gather3A_116 = tpu.vector_load_idx %arg5[%add3A_105] : memref<100000xf32, #tpu.memory_space<vmem>>[vector<16xi32>], vector<16xf32>,
      %add3A_117 = arith.constant 1 : i32
      %add3A_118 = vector.broadcast %add3A_117 : i32 to vector<16xi32>
      %add3A_119 = arith.addi %add3A_105, %add3A_118 : vector<16xi32>
      %gather3A_120 = tpu.vector_load_idx %arg5[%add3A_119] : memref<100000xf32, #tpu.memory_space<vmem>>[vector<16xi32>], vector<16xf32>,
      %sub3A_121 = arith.subf %gather3A_111, %gather3A_106 : vector<16xf32>
      %sub3A_122 = arith.subf %gather3A_120, %gather3A_110 : vector<16xf32>
      %mul3A_123 = arith.mulf %sub3A_121, %sub3A_122 : vector<16xf32>
      %sub3A_124 = arith.subf %gather3A_115, %gather3A_110 : vector<16xf32>
      %sub3A_125 = arith.subf %gather3A_116, %gather3A_106 : vector<16xf32>
      %mul3A_126 = arith.mulf %sub3A_124, %sub3A_125 : vector<16xf32>
      %sub3A_127 = arith.subf %mul3A_123, %mul3A_126 : vector<16xf32>
      %abs3A = math.absf %sub3A_127 : vector<16xf32>
      %add3A_128 = arith.addf %scan3A_90, %abs3A : vector<16xf32>
      scf.yield %add3A_128 : vector<16xf32>
    }
    %scan3A_65 = arith.constant 125 : i32
    %dma_wait3A_66 = tpu.memref_slice %arg3[%add3A_57] : memref<960000xi32, #tpu.memory_space<hbm>> -> memref<6000xi32, #tpu.memory_space<hbm>>
    %dma_wait3A_67 = tpu.memref_slice %arg3[%add3A_57] : memref<960000xi32, #tpu.memory_space<hbm>> -> memref<6000xi32, #tpu.memory_space<hbm>>
    tpu.wait_dma2 semaphore(%arg12 : memref<!tpu.dma_semaphore, #tpu.memory_space<semaphore_mem>>) src(%dma_wait3A_67 : memref<6000xi32, #tpu.memory_space<hbm>>) dst(%arg7 : memref<6000xi32, #tpu.memory_space<vmem>>)
    %add3A_68 = arith.constant 24000 : i32
    %add3A_69 = arith.addi %add3A_24, %add3A_68 : i32
    %dma_start3A_70 = tpu.memref_slice %arg3[%add3A_69] : memref<960000xi32, #tpu.memory_space<hbm>> -> memref<6000xi32, #tpu.memory_space<hbm>>
    %dma_start3A_71 = tpu.memref_slice %arg3[%add3A_69] : memref<960000xi32, #tpu.memory_space<hbm>> -> memref<6000xi32, #tpu.memory_space<hbm>>
    tpu.enqueue_dma source(%dma_start3A_71 : memref<6000xi32, #tpu.memory_space<hbm>>) target(%arg6 : memref<6000xi32, #tpu.memory_space<vmem>>) target_semaphore(%arg11 : memref<!tpu.dma_semaphore, #tpu.memory_space<semaphore_mem>>)
    %scan3A_72 = arith.constant 0 : i32
    %scan3A_73 = arith.constant 125 : i32
    %scan3A_74 = arith.addi %scan3A_72, %scan3A_73 : i32
    %scan3A_75 = arith.constant 1 : i32
    %scan3A_76 = scf.for %scan3A_89 = %scan3A_72 to %scan3A_74 step %scan3A_75 iter_args(%scan3A_90 = %scan3A_64) -> (vector<16xf32>)  : i32 {
      %mul3A_91 = arith.constant 48 : i32
      %mul3A_92 = arith.muli %scan3A_89, %mul3A_91 : i32
      %add3A_93 = vector.broadcast %mul3A_92 : i32 to vector<16xi32>
      %add3A_94 = arith.addi %mul3A_30, %add3A_93 : vector<16xi32>
      %gather3A = tpu.vector_load_idx %arg7[%add3A_94] : memref<6000xi32, #tpu.memory_space<vmem>>[vector<16xi32>], vector<16xi32>,
      %add3A_95 = arith.constant 1 : i32
      %add3A_96 = vector.broadcast %add3A_95 : i32 to vector<16xi32>
      %add3A_97 = arith.addi %add3A_94, %add3A_96 : vector<16xi32>
      %gather3A_98 = tpu.vector_load_idx %arg7[%add3A_97] : memref<6000xi32, #tpu.memory_space<vmem>>[vector<16xi32>], vector<16xi32>,
      %add3A_99 = arith.constant 2 : i32
      %add3A_100 = vector.broadcast %add3A_99 : i32 to vector<16xi32>
      %add3A_101 = arith.addi %add3A_94, %add3A_100 : vector<16xi32>
      %gather3A_102 = tpu.vector_load_idx %arg7[%add3A_101] : memref<6000xi32, #tpu.memory_space<vmem>>[vector<16xi32>], vector<16xi32>,
      %add3A_103 = arith.addi %gather3A, %gather3A : vector<16xi32>
      %add3A_104 = arith.addi %gather3A_98, %gather3A_98 : vector<16xi32>
      %add3A_105 = arith.addi %gather3A_102, %gather3A_102 : vector<16xi32>
      %gather3A_106 = tpu.vector_load_idx %arg5[%add3A_103] : memref<100000xf32, #tpu.memory_space<vmem>>[vector<16xi32>], vector<16xf32>,
      %add3A_107 = arith.constant 1 : i32
      %add3A_108 = vector.broadcast %add3A_107 : i32 to vector<16xi32>
      %add3A_109 = arith.addi %add3A_103, %add3A_108 : vector<16xi32>
      %gather3A_110 = tpu.vector_load_idx %arg5[%add3A_109] : memref<100000xf32, #tpu.memory_space<vmem>>[vector<16xi32>], vector<16xf32>,
      %gather3A_111 = tpu.vector_load_idx %arg5[%add3A_104] : memref<100000xf32, #tpu.memory_space<vmem>>[vector<16xi32>], vector<16xf32>,
      %add3A_112 = arith.constant 1 : i32
      %add3A_113 = vector.broadcast %add3A_112 : i32 to vector<16xi32>
      %add3A_114 = arith.addi %add3A_104, %add3A_113 : vector<16xi32>
      %gather3A_115 = tpu.vector_load_idx %arg5[%add3A_114] : memref<100000xf32, #tpu.memory_space<vmem>>[vector<16xi32>], vector<16xf32>,
      %gather3A_116 = tpu.vector_load_idx %arg5[%add3A_105] : memref<100000xf32, #tpu.memory_space<vmem>>[vector<16xi32>], vector<16xf32>,
      %add3A_117 = arith.constant 1 : i32
      %add3A_118 = vector.broadcast %add3A_117 : i32 to vector<16xi32>
      %add3A_119 = arith.addi %add3A_105, %add3A_118 : vector<16xi32>
      %gather3A_120 = tpu.vector_load_idx %arg5[%add3A_119] : memref<100000xf32, #tpu.memory_space<vmem>>[vector<16xi32>], vector<16xf32>,
      %sub3A_121 = arith.subf %gather3A_111, %gather3A_106 : vector<16xf32>
      %sub3A_122 = arith.subf %gather3A_120, %gather3A_110 : vector<16xf32>
      %mul3A_123 = arith.mulf %sub3A_121, %sub3A_122 : vector<16xf32>
      %sub3A_124 = arith.subf %gather3A_115, %gather3A_110 : vector<16xf32>
      %sub3A_125 = arith.subf %gather3A_116, %gather3A_106 : vector<16xf32>
      %mul3A_126 = arith.mulf %sub3A_124, %sub3A_125 : vector<16xf32>
      %sub3A_127 = arith.subf %mul3A_123, %mul3A_126 : vector<16xf32>
      %abs3A = math.absf %sub3A_127 : vector<16xf32>
      %add3A_128 = arith.addf %scan3A_90, %abs3A : vector<16xf32>
      scf.yield %add3A_128 : vector<16xf32>
    }
    %scan3A_77 = arith.constant 125 : i32
    %dma_wait3A_78 = tpu.memref_slice %arg3[%add3A_69] : memref<960000xi32, #tpu.memory_space<hbm>> -> memref<6000xi32, #tpu.memory_space<hbm>>
    %dma_wait3A_79 = tpu.memref_slice %arg3[%add3A_69] : memref<960000xi32, #tpu.memory_space<hbm>> -> memref<6000xi32, #tpu.memory_space<hbm>>
    tpu.wait_dma2 semaphore(%arg11 : memref<!tpu.dma_semaphore, #tpu.memory_space<semaphore_mem>>) src(%dma_wait3A_79 : memref<6000xi32, #tpu.memory_space<hbm>>) dst(%arg6 : memref<6000xi32, #tpu.memory_space<vmem>>)
    %scan3A_80 = arith.constant 0 : i32
    %scan3A_81 = arith.constant 125 : i32
    %scan3A_82 = arith.addi %scan3A_80, %scan3A_81 : i32
    %scan3A_83 = arith.constant 1 : i32
    %scan3A_84 = scf.for %scan3A_89 = %scan3A_80 to %scan3A_82 step %scan3A_83 iter_args(%scan3A_90 = %scan3A_76) -> (vector<16xf32>)  : i32 {
      %mul3A_91 = arith.constant 48 : i32
      %mul3A_92 = arith.muli %scan3A_89, %mul3A_91 : i32
      %add3A_93 = vector.broadcast %mul3A_92 : i32 to vector<16xi32>
      %add3A_94 = arith.addi %mul3A_30, %add3A_93 : vector<16xi32>
      %gather3A = tpu.vector_load_idx %arg6[%add3A_94] : memref<6000xi32, #tpu.memory_space<vmem>>[vector<16xi32>], vector<16xi32>,
      %add3A_95 = arith.constant 1 : i32
      %add3A_96 = vector.broadcast %add3A_95 : i32 to vector<16xi32>
      %add3A_97 = arith.addi %add3A_94, %add3A_96 : vector<16xi32>
      %gather3A_98 = tpu.vector_load_idx %arg6[%add3A_97] : memref<6000xi32, #tpu.memory_space<vmem>>[vector<16xi32>], vector<16xi32>,
      %add3A_99 = arith.constant 2 : i32
      %add3A_100 = vector.broadcast %add3A_99 : i32 to vector<16xi32>
      %add3A_101 = arith.addi %add3A_94, %add3A_100 : vector<16xi32>
      %gather3A_102 = tpu.vector_load_idx %arg6[%add3A_101] : memref<6000xi32, #tpu.memory_space<vmem>>[vector<16xi32>], vector<16xi32>,
      %add3A_103 = arith.addi %gather3A, %gather3A : vector<16xi32>
      %add3A_104 = arith.addi %gather3A_98, %gather3A_98 : vector<16xi32>
      %add3A_105 = arith.addi %gather3A_102, %gather3A_102 : vector<16xi32>
      %gather3A_106 = tpu.vector_load_idx %arg5[%add3A_103] : memref<100000xf32, #tpu.memory_space<vmem>>[vector<16xi32>], vector<16xf32>,
      %add3A_107 = arith.constant 1 : i32
      %add3A_108 = vector.broadcast %add3A_107 : i32 to vector<16xi32>
      %add3A_109 = arith.addi %add3A_103, %add3A_108 : vector<16xi32>
      %gather3A_110 = tpu.vector_load_idx %arg5[%add3A_109] : memref<100000xf32, #tpu.memory_space<vmem>>[vector<16xi32>], vector<16xf32>,
      %gather3A_111 = tpu.vector_load_idx %arg5[%add3A_104] : memref<100000xf32, #tpu.memory_space<vmem>>[vector<16xi32>], vector<16xf32>,
      %add3A_112 = arith.constant 1 : i32
      %add3A_113 = vector.broadcast %add3A_112 : i32 to vector<16xi32>
      %add3A_114 = arith.addi %add3A_104, %add3A_113 : vector<16xi32>
      %gather3A_115 = tpu.vector_load_idx %arg5[%add3A_114] : memref<100000xf32, #tpu.memory_space<vmem>>[vector<16xi32>], vector<16xf32>,
      %gather3A_116 = tpu.vector_load_idx %arg5[%add3A_105] : memref<100000xf32, #tpu.memory_space<vmem>>[vector<16xi32>], vector<16xf32>,
      %add3A_117 = arith.constant 1 : i32
      %add3A_118 = vector.broadcast %add3A_117 : i32 to vector<16xi32>
      %add3A_119 = arith.addi %add3A_105, %add3A_118 : vector<16xi32>
      %gather3A_120 = tpu.vector_load_idx %arg5[%add3A_119] : memref<100000xf32, #tpu.memory_space<vmem>>[vector<16xi32>], vector<16xf32>,
      %sub3A_121 = arith.subf %gather3A_111, %gather3A_106 : vector<16xf32>
      %sub3A_122 = arith.subf %gather3A_120, %gather3A_110 : vector<16xf32>
      %mul3A_123 = arith.mulf %sub3A_121, %sub3A_122 : vector<16xf32>
      %sub3A_124 = arith.subf %gather3A_115, %gather3A_110 : vector<16xf32>
      %sub3A_125 = arith.subf %gather3A_116, %gather3A_106 : vector<16xf32>
      %mul3A_126 = arith.mulf %sub3A_124, %sub3A_125 : vector<16xf32>
      %sub3A_127 = arith.subf %mul3A_123, %mul3A_126 : vector<16xf32>
      %abs3A = math.absf %sub3A_127 : vector<16xf32>
      %add3A_128 = arith.addf %scan3A_90, %abs3A : vector<16xf32>
      scf.yield %add3A_128 : vector<16xf32>
    }
    %scan3A_85 = arith.constant 125 : i32
    %swap3A = arith.constant 0 : index
    %swap3A_86 = tpu.vector_load %arg8[%swap3A] {strides = array<i32>} : memref<16xf32, #tpu.memory_space<vmem>>, vector<16xf32>,
    tpu.vector_store %arg8[%swap3A], %scan3A_84 {strides = array<i32>} : memref<16xf32, #tpu.memory_space<vmem>>, vector<16xf32>,
    %mul3A_87 = arith.constant 16 : i32
    %mul3A_88 = arith.muli %add3A, %mul3A_87 : i32
    "tpu.region"() ({
      %run_scoped3A = tpu.sem_alloc : memref<!tpu.dma_semaphore, #tpu.memory_space<semaphore_mem>>
      %dma_start3A_89 = tpu.memref_slice %arg4[%mul3A_88] : memref<512xf32, #tpu.memory_space<hbm>> -> memref<16xf32, #tpu.memory_space<hbm>>
      %dma_start3A_90 = tpu.memref_slice %arg4[%mul3A_88] : memref<512xf32, #tpu.memory_space<hbm>> -> memref<16xf32, #tpu.memory_space<hbm>>
      tpu.enqueue_dma source(%arg8 : memref<16xf32, #tpu.memory_space<vmem>>) target(%dma_start3A_90 : memref<16xf32, #tpu.memory_space<hbm>>) target_semaphore(%run_scoped3A : memref<!tpu.dma_semaphore, #tpu.memory_space<semaphore_mem>>)
      %dma_wait3A_91 = tpu.memref_slice %arg4[%mul3A_88] : memref<512xf32, #tpu.memory_space<hbm>> -> memref<16xf32, #tpu.memory_space<hbm>>
      %dma_wait3A_92 = tpu.memref_slice %arg4[%mul3A_88] : memref<512xf32, #tpu.memory_space<hbm>> -> memref<16xf32, #tpu.memory_space<hbm>>
      tpu.wait_dma2 semaphore(%run_scoped3A : memref<!tpu.dma_semaphore, #tpu.memory_space<semaphore_mem>>) src(%arg8 : memref<16xf32, #tpu.memory_space<vmem>>) dst(%dma_wait3A_92 : memref<16xf32, #tpu.memory_space<hbm>>)
      tpu.yield
    }) : () -> ()
    return
  }
}

module attributes {stable_mosaic.version = 14 : i64} {
  func.func @_tc_body(%arg0: memref<8x64xf32, #tpu.memory_space<vmem>>, %arg1: memref<1x1xf32, #tpu.memory_space<smem>>) attributes {dimension_semantics = [], scalar_prefetch = 0 : i64, scratch_operands = 0 : i64, tpu.core_type = #tpu.core_type<tc>} {
    %get3A = arith.constant 0 : index
    %get3A_0 = arith.constant 0 : index
    %get3A_1 = vector.load %arg0[%get3A, %get3A_0] : memref<8x64xf32, #tpu.memory_space<vmem>>, vector<8x64xf32>
    %reduce_sum3A = arith.constant dense<0.000000e+00> : vector<8xf32>
    %reduce_sum3A_2 = vector.multi_reduction <add>, %get3A_1, %reduce_sum3A [1] : vector<8x64xf32> to vector<8xf32>
    %broadcast_in_dim3A = vector.shape_cast %reduce_sum3A_2 : vector<8xf32> to vector<8x1xf32>
    %mul3A = arith.constant 5.000000e-01 : f32
    %mul3A_3 = vector.broadcast %mul3A : f32 to vector<8x1xf32>
    %mul3A_4 = arith.mulf %broadcast_in_dim3A, %mul3A_3 : vector<8x1xf32>
    %reduce_sum3A_5 = vector.shape_cast %mul3A_4 : vector<8x1xf32> to vector<1x8x1xf32>
    %reduce_sum3A_6 = arith.constant dense<0.000000e+00> : vector<1xf32>
    %reduce_sum3A_7 = vector.multi_reduction <add>, %reduce_sum3A_5, %reduce_sum3A_6 [1, 2] : vector<1x8x1xf32> to vector<1xf32>
    %reduce_sum3A_8 = vector.shape_cast %reduce_sum3A_7 : vector<1xf32> to vector<1x1x1xf32>
    %reduce_sum3A_9 = vector.extract %reduce_sum3A_8[0, 0, 0] : f32 from vector<1x1x1xf32>
    %div3A = arith.constant 8.000000e+00 : f32
    %div3A_10 = arith.divf %reduce_sum3A_9, %div3A : f32
    %sub3A = vector.broadcast %div3A_10 : f32 to vector<8x1xf32>
    %sub3A_11 = arith.subf %mul3A_4, %sub3A : vector<8x1xf32>
    %mul3A_12 = arith.mulf %sub3A_11, %sub3A_11 : vector<8x1xf32>
    %reduce_sum3A_13 = vector.shape_cast %mul3A_12 : vector<8x1xf32> to vector<1x8x1xf32>
    %reduce_sum3A_14 = arith.constant dense<0.000000e+00> : vector<1xf32>
    %reduce_sum3A_15 = vector.multi_reduction <add>, %reduce_sum3A_13, %reduce_sum3A_14 [1, 2] : vector<1x8x1xf32> to vector<1xf32>
    %reduce_sum3A_16 = vector.shape_cast %reduce_sum3A_15 : vector<1xf32> to vector<1x1x1xf32>
    %reduce_sum3A_17 = vector.extract %reduce_sum3A_16[0, 0, 0] : f32 from vector<1x1x1xf32>
    %swap3A = arith.constant 0 : index
    %swap3A_18 = arith.constant 0 : index
    %swap3A_19 = memref.load %arg1[%swap3A, %swap3A_18] : memref<1x1xf32, #tpu.memory_space<smem>>
    memref.store %reduce_sum3A_17, %arg1[%swap3A, %swap3A_18] : memref<1x1xf32, #tpu.memory_space<smem>>
    return
  }
}

</mosaic_0001>

<sc_bundles>
// kernel: kernel.4.cloned.1.call-start
scs
__scs_entry_jumppad:
0x0: {  	(pc) =	sbr.rel $0x88, $3  }
0x1: {  	(tag) =	ssettag $0x0;
	lr =	simm.s32 $0x1  }
0x2: {  	[smem:$0x3F9F] =	sst lr;
	_ =	strace $0xD0000000  }
0x3: {  	_ = 	snop  }
0x4: {  	_ = 	snop  }
0x5: {  	_ = 	snop  }
0x6: {  	_ = 	snop  }
0x7: {  	_ = 	snop  }
__scs_overlays_trampoline_lowered:
0x8: {  	[smem:$0x3FAE] =	sst s0  }
0x9: {  	[smem:$0x3FAF] =	sst s1  }
0xa: {  	[smem:$0x3FB0] =	sst s2  }
0xb: {  	[smem:$0x3FB1] =	sst s3  }
0xc: {  	[smem:$0x3FB2] =	sst s4  }
0xd: {  	[smem:$0x3FB3] =	sst s5  }
0xe: {  	[smem:$0x3FB4] =	sst s6  }
0xf: {  	[smem:$0x3FB5] =	sst s7  }
0x10: {  	[smem:$0x3FB6] =	sst s8  }
0x11: {  	[smem:$0x3FB7] =	sst s9;
	s0 =	simm.s32 @!p0 $0x0  }
0x12: {  	s1 =	sld [smem:$0x3F9D];
	s0 =	simm.s32 @p0 $0x1  }
0x13: {  	[smem:$0x3FB8] =	sst s0;
	s0 =	simm.s32 @!p1 $0x0  }
0x14: {  	s2 =	sld [smem:$0x3F9C];
	s0 =	simm.s32 @p1 $0x1  }
0x15: {  	[smem:$0x3FB9] =	sst s0;
	s0 =	simm.s32 @!p2 $0x0  }
0x16: {  	s3 =	sld [smem:$0x3FDB];
	s0 =	simm.s32 @p2 $0x1  }
0x17: {  	s4 =	simm.s32 $0x1BF5;
	[smem:$0x3FBB] =	sst s0  }
0x18: {  	s0 =	sld [smem:$0x3F9E];
	_ =	swait.ge [sflag:s4], $0x0  }
0x19: {  	s7 =	sld [smem:$0x3F9F]  }
0x1a: {  	s8 =	sadd.s32 $0xFFFFE003, lr  }
0x1b: {  	s9 =	sadd.s32 $0xFFFFFEF7, lr;
	s5 =	simm.s32 $0xFFFFFFFF;
	p2 =	slt.u32 s8, $0xFFFFF086  }
0x1c: {  	p1 =	slt.u32 s9, $0xF7A;
	s5 =	simm.s32 @!p2 $0x0  }
0x1d: {  	s5 =	simm.s32 @p1 $0x1;
	p0 =	seq.s32 s7, s2  }
0x1e: {  	s7 =	smul.u32 @!p0 $0xF7A, s2;
	p2 =	seq.s32 @!p0 s5, $0x0  }
0x1f: {  	s9 =	smul.u32 $0xF7A, s1;
	s8 =	simm.s32 @!p0 $0x1BF5;
	p2 =	por !p2, p0  }
0x20: {  	[sflag:s8] =	ssyncset.s32 @!p0 $0xFFFFF086;
	s6 =	sadd.s32 @!p0 s3, s7;
	s7 =	simm.s32 @!p0 $0x108  }
0x21: {  	s3 =	sadd.s32 s3, s9;
	s6 =	sadd.s32 @!p0 $0x88, s6;
	s7 =	simm.s32 @p2 $0x1082  }
0x22: {  	[simem:s7], [sflag:s8] =	dma.local @!p0 [hbm:s6], $0xF7A  }
0x23: {  	s9 =	sor.u32 $0xD0000000, s2;
	s6 =	simm.s32 $0x108;
	_ =	swait.ge @!p0 [sflag:s8], $0x0  }
0x24: {  	s3 =	sadd.s32 $0x88, s3;
	s6 =	simm.s32 @!p1 $0x1082;
	[sflag:s4] =	ssyncset.s32 $0xFFFFF086  }
0x25: {  	[simem:s6], [sflag:s4] =	dma.local [hbm:s3], $0xF7A  }
0x26: {  	[smem:$0x3F9F] =	sst s1;
	(tag) =	ssettag s2;
	_ =	strace s9  }
0x27: {  	s1 =	sld [smem:$0x3FAF]  }
0x28: {  	s2 =	sld [smem:$0x3FB0]  }
0x29: {  	s4 =	sld [smem:$0x3FB2]  }
0x2a: {  	p0 =	seq.s32 s5, $0x0;
	s5 =	sld [smem:$0x3FB3]  }
0x2b: {  	s6 =	sld [smem:$0x3FB4]  }
0x2c: {  	s7 =	sld [smem:$0x3FB5]  }
0x2d: {  	s3 =	simm.s32 $0x108;
	s8 =	sld [smem:$0x3FB6]  }
0x2e: {  	s3 =	simm.s32 @!p0 $0x1082;
	s9 =	sld [smem:$0x3FB7]  }
0x2f: {  	lr =	sadd.s32 s0, s3;
	s0 =	sld [smem:$0x3FAE]  }
0x30: {  	s3 =	sld [smem:$0x3FB1]  }
0x31: {  	[smem:$0x3FBA] =	sst s10  }
0x32: {  	s10 =	sld [smem:$0x3FB8];
	_ =	sdelay $0x3  }
0x33: {  	p0 =	seq.s32 s10, $0x1;
	s10 =	sld [smem:$0x3FBA];
	_ =	sdelay $0x3  }
0x34: {  	[smem:$0x3FBA] =	sst s10  }
0x35: {  	s10 =	sld [smem:$0x3FB9];
	_ =	sdelay $0x3  }
0x36: {  	p1 =	seq.s32 s10, $0x1;
	s10 =	sld [smem:$0x3FBA];
	_ =	sdelay $0x3  }
0x37: {  	[smem:$0x3FBA] =	sst s10  }
0x38: {  	s10 =	sld [smem:$0x3FBB]  }
0x39: {  	_ = 	snop;
	(pc) =	sbr.ind lr, $3  }
0x3a: {  	_ = 	snop  }
0x3b: {  	_ = 	snop  }
0x3c: {  	p2 =	seq.s32 s10, $0x1;
	s10 =	sld [smem:$0x3FBA]  }
0x3d: {  	_ =	shalt  }
0x3e: {  	_ =	shalt  }
0x3f: {  	_ =	shalt  }
0x40: {  	_ =	shalt  }
0x41: {  	_ =	shalt  }
0x42: {  	_ =	shalt  }
0x43: {  	_ =	shalt  }
0x44: {  	_ =	shalt  }
0x45: {  	_ =	shalt  }
0x46: {  	_ =	shalt  }
0x47: {  	_ =	shalt  }
0x48: {  	_ =	shalt  }
0x49: {  	_ =	shalt  }
0x4a: {  	_ =	shalt  }
0x4b: {  	_ =	shalt  }
0x4c: {  	_ =	shalt  }
0x4d: {  	_ =	shalt  }
0x4e: {  	_ =	shalt  }
0x4f: {  	_ =	shalt  }
0x50: {  	_ =	shalt  }
0x51: {  	_ =	shalt  }
0x52: {  	_ =	shalt  }
0x53: {  	_ =	shalt  }
0x54: {  	_ =	shalt  }
0x55: {  	_ =	shalt  }
0x56: {  	_ =	shalt  }
0x57: {  	_ =	shalt  }
0x58: {  	_ =	shalt  }
0x59: {  	_ =	shalt  }
0x5a: {  	_ =	shalt  }
0x5b: {  	_ =	shalt  }
0x5c: {  	_ =	shalt  }
0x5d: {  	_ =	shalt  }
0x5e: {  	_ =	shalt  }
0x5f: {  	_ =	shalt  }
0x60: {  	_ =	shalt  }
0x61: {  	_ =	shalt  }
0x62: {  	_ =	shalt  }
0x63: {  	_ =	shalt  }
0x64: {  	_ =	shalt  }
0x65: {  	_ =	shalt  }
0x66: {  	_ =	shalt  }
0x67: {  	_ =	shalt  }
0x68: {  	_ =	shalt  }
0x69: {  	_ =	shalt  }
0x6a: {  	_ =	shalt  }
0x6b: {  	_ =	shalt  }
0x6c: {  	_ =	shalt  }
0x6d: {  	_ =	shalt  }
0x6e: {  	_ =	shalt  }
0x6f: {  	_ =	shalt  }
0x70: {  	_ =	shalt  }
0x71: {  	_ =	shalt  }
0x72: {  	_ =	shalt  }
0x73: {  	_ =	shalt  }
0x74: {  	_ =	shalt  }
0x75: {  	_ =	shalt  }
0x76: {  	_ =	shalt  }
0x77: {  	_ =	shalt  }
0x78: {  	_ =	shalt  }
0x79: {  	_ =	shalt  }
0x7a: {  	_ =	shalt  }
0x7b: {  	_ =	shalt  }
0x7c: {  	_ =	shalt  }
0x7d: {  	_ =	shalt  }
0x7e: {  	_ =	shalt  }
0x7f: {  	_ =	shalt  }
0x80: {  	_ =	shalt  }
0x81: {  	_ =	shalt  }
0x82: {  	_ =	shalt  }
0x83: {  	_ =	shalt  }
0x84: {  	_ =	shalt  }
0x85: {  	_ =	shalt  }
0x86: {  	_ =	shalt  }
0x87: {  	_ =	shalt  }
.Lfunc_end0:
.L_simem_size_0:
called_computation_lowered:
.L_overlay_start_0:
0x88: {  	s2 =	sld [smem:$0x3FD9]  }
0x89: {  	s3 =	sld [smem:$0x3FFE];
	_ =	sdelay $0x1  }
0x8a: {  	s1 =	srdreg.scid  }
0x8b: {  	s0 =	sand.u32 $0x1, s1  }
0x8c: {  	s16 =	sshll.u32 s0, $0xA;
	s2 =	sadd.s32 s3, s2  }
0x8d: {  	s2 =	sadd.s32 s2, s16  }
0x8e: {  	[smem:$0x3FC6] =	sst s2  }
0x8f: {  	_ = 	snop  }
0x90: {  	(tm) =	ssettm $0x1  }
0x91: {  	s17 =	sld [smem:$0x3FFB];
	_ =	sdelay $0x3  }
0x92: {  	_ =	strace s17  }
0x93: {  	s2 =	sld [smem:$0x3FFC];
	_ =	sdelay $0x3  }
0x94: {  	_ =	strace s2  }
0x95: {  	s2 =	sld [smem:$0x3FFD];
	_ =	sdelay $0x3  }
0x96: {  	_ =	strace s2  }
0x97: {  	_ =	strace $0x8FFFFFFF  }
0x98: {  	s18 =	sld [smem:$0x3FDB];
	_ =	sdelay $0x1  }
0x99: {  	s19 =	simm.s32 $_scs_section_size  }
0x9a: {  	s4 =	simm.s32 $_size__tile_overlayer_lowered;
	s5 =	simm.s32 $_tile_overlayer_lowered  }
0x9b: {  	s22 =	simm.s32 $0x1BFF;
	s21 =	sshll.u32 s5, $0x1;
	s2 =	sadd.s32 s19, s18  }
0x9c: {  	s6 =	simm.s32 $0x0;
	s20 =	sshll.u32 s4, $0x1;
	s4 =	sadd.s32 s21, s2  }
0x9d: {  	[timem:s6], [sflag:s22] =	dma.local [hbm:s4], s20  }
0x9e: {  	_ =	swait.ge [sflag:s22], s20  }
0x9f: {  	s3 =	ssub.s32 $0x0, s20;
	[sflag:s22] =	ssyncset.done $0x0  }
0xa0: {  	[sflag:s22] =	ssyncadd.s32 s3;
	_ =	sdelay $0x1  }
0xa1: {  	s23 =	simm.s32 $0x1B8B  }
0xa2: {  	_ =	swait.ge [sflag:s23], $0x1  }
0xa3: {  	[sflag:s23] =	ssyncset.done $0x0  }
0xa4: {  	s25 =	simm.s32 $0x1B8E;
	s24 =	sld [smem:$0x3FFE];
	[sflag:s23] =	ssyncadd.s32 $0xFFFFFFFF  }
0xa5: {  	s26 =	simm.s32 $execute0_lowered;
	[smem:$0x3FD2] =	sst s25  }
0xa6: {  	s4 =	sshll.u32 s26, $0x1;
	_ =	strace $0x80000046;
	[dreg:$0x1] =	wrdreg $0xFFFFFFFF  }
0xa7: {  	s28 =	simm.s32 $_size_execute0_lowered;
	s2 =	sadd.s32 s2, s4;
	[dreg:$0x0] =	wrdreg $0x0  }
0xa8: {  	s4 =	sshll.u32 s28, $0x1;
	[dreg:$0x2] =	wrdreg s2  }
0xa9: {  	[dreg:$0x3] =	wrdreg s4  }
0xaa: {  	[dreg:$0x4] =	wrdreg $0xC0  }
0xab: {  	_ =	task [dreg:s6], $0x5FFFF  }
0xac: {  	[dreg:$0x1] =	wrdreg $0xFFFFFFFF  }
0xad: {  	[dreg:$0x0] =	wrdreg $0x60  }
0xae: {  	[dreg:$0x2] =	wrdreg s24  }
0xaf: {  	[dreg:$0x3] =	wrdreg $0x1B6800  }
0xb0: {  	[dreg:$0x4] =	wrdreg $0x9  }
0xb1: {  	_ =	task.clear_ibuf [dreg:s6], $0x5FFFF;
	_ =	strace $0x90000046  }
0xb2: {  	s29 =	simm.s32 $0x9;
	_ =	strace $0x80000048  }
0xb3: {  	_ =	swait.ge [sflag:s29], $0x1  }
0xb4: {  	[sflag:s29] =	ssyncadd.s32 $0xFFFFFFFF  }
0xb5: {  	_ =	strace $0x90000048  }
0xb6: {  	_ =	sfence  }
0xb7: {  	s30 =	sld [smem:$0x0];
	_ =	sdelay $0x2  }
0xb8: {  	s31 =	sshll.u32 s1, $0xD;
	s1 =	sshrl.u32 s1, $0x2  }
0xb9: {  	s3 =	sand.u32 $0x4000, s31;
	s1 =	sadd.s32 s1, s30  }
0xba: {  	s0 =	sor.u32 s3, s0;
	s1 =	sshll.u32 s1, $0x11  }
0xbb: {  	s0 =	sor.u32 s1, s0  }
0xbc: {  	s0 =	sadd.s32 $0x8F2B, s0  }
0xbd: {  	[sflag:s0] =	ssyncadd.remote.s32 $0x1  }
0xbe: {  	_ =	sfence.sel $0xFFFF  }
0xbf: {  	[dreg:$0x0] =	wrdreg $0xFFFFFFFF;
	(pc) =	sbr.abs _section_cstart, $3  }
0xc0: {  	[dreg:$0x1] =	wrdreg $0xFFFFFFFF  }
0xc1: {  	_ =	task.clear_ibuf [dreg:s6], $0x2FFFF;
	_ =	strace $0x9FFFFFFF  }
0xc2: {  	(tm) =	ssettm $0x7FFFFFFF  }
0xc3: {  	_ =	shalt  }
tec
execute0_lowered:
.L_overlay_start_1:
0x0: {  	(tag) =	ssettag $0x1  }
0x1: {  	s0 =	srdreg.scid  }
0x2: {  	s11 =	stileid.u32;
	s6 =	rddreg [dreg:$0x0];
	s4 =	sand.u32 $0x1, s0  }
0x3: {  	s1 =	rddreg [dreg:$0x1];
	s15 =	simm.s32 $0x19E80;
	s0 =	sshll.u32 s4, $0x4  }
0x4: {  	s16 =	simm.s32 $0x3;
	s26 =	sand.u32 $0x3, s11;
	s5 =	sor.u32 s11, s0  }
0x5: {  	s17 =	simm.s32 $0x1B600;
	p1 =	sne.s32 s26, $0x0;
	p0 =	seq.s32 s5, $0x0  }
0x6: {  	s18 =	simm.s32 $0x4;
	s19 =	simm.s32 $0x0;
	p0 =	por !p1, !p0  }
0x7: {  	s4 =	ssub.s32 $0x2, s4;
	s0 =	simm.s32 $0x1;
	p0 =	por !p0, !p0  }
0x8: {  	s28 =	sshrl.u32 s4, $0x1;
	s2 =	sshrl.u32 s5, $0x2;
	s0 =	simm.s32 @!p0 $0x0  }
0x9: {  	s9 =	sadd.s32 $0x4E2600, s6;
	s12 =	ssub.s32 s4, s28;
	s3 =	ssub.s32 s2, s0  }
0xa: {  	s4 =	simm.s32 $0x1;
	p0 =	sne.s32 s11, $0x0;
	s7 =	sshll.u32 s3, $0x2  }
0xb: {  	s11 =	smax.u32 s12, $0x1;
	s8 =	smul.u32 $0x1D4C0, s3;
	s7 =	ssub.s32 s5, s7  }
0xc: {  	s0 =	rddreg [dreg:$0x2];
	s2 =	simm.s32 $0x0;
	s7 =	smul.u32 $0x7530, s7  }
0xd: {  	s12 =	simm.s32 $0x18700;
	[smem:$0x7FF] =	sst s2;
	s5 =	sshll.u32 s5, $0x1  }
0xe: {  	s3 =	sadd.s32 $0x600, s6;
	s10 =	sadd.s32 s5, s6;
	s7 =	sadd.s32 s8, s7  }
0xf: {  	_ =	strace $0x80000047;
	s10 =	sadd.s32 $0x3800, s10;
	s29 =	sshrl.u32 s7, $0x3  }
0x10: {  	s30 =	sadd.s32 $0x1770, s7;
	s8 =	sadd.s32 $0x2EE0, s7;
	s13 =	sadd.s32 $0x4650, s7  }
0x11: {  	v0 =	vlaneseq.u32;
	s14 =	sadd.s32 $0x5DC0, s7;
	s5 =	sadd.s32 s9, s29;
	s6 =	sshrl.u32 s30, $0x3  }
0x12: {  	v0 =	vmul.u32 $0x3, v0;
	s8 =	sshrl.u32 s8, $0x3;
	s13 =	sshrl.u32 s13, $0x3;
	s31 =	sshrl.u32 s14, $0x3  }
0x13: {  	s14 =	simm.s32 $0x2;
	s6 =	sadd.s32 s9, s6;
	s7 =	sadd.s32 s9, s8  }
0x14: {  	v1 =	vadd.s32 $0x1, v0;
	v2 =	vadd.s32 $0x2, v0;
	s8 =	sadd.s32 s9, s13;
	s9 =	sadd.s32 s9, s31;
	s13 =	sshrl.u32 @!p0 s1, $0x3  }
.LBB2_1:
0x15: {  	[tilespmem:s12], [sflag:$0x2] =	stream.linear.gather [hbm4b:s5+s2], $0x1770, $0x38;
	[tilespmem:$0x1CEF0] =	vst v63  }
0x16: {  	s20 =	simm.s32 @!p0 $0x1C04  }
0x17: {  	[spmem:s13], [sflag:s20] =	dma.local @!p0 [hbm:s3], $0x30E0  }
0x18: {  	s20 =	simm.s32 @!p0 $0x4  }
0x19: {  	_ =	swait.ge @!p0 [sflag:s20], $0x30E0  }
0x1a: {  	[sflag:s20] =	ssyncset.done @!p0 $0x0  }
0x1b: {  	[sflag:s20] =	ssyncadd.s32 @!p0 $0xFFFFCF20  }
0x1c: {  	[bflag:$0x0] =	sbarrier.arrive $0xFFFF  }
0x1d: {  	[tilespmem:s2], [sflag:$0x1] =	stream.linear.gather [spmem:s1], $0x18700, $0x38;
	[tilespmem:$0x1CEF0] =	vst v63  }
0x1e: {  	_ =	swait.ge [sflag:s4], $0x18700  }
0x1f: {  	[sflag:s4] =	ssyncset.done $0x0  }
0x20: {  	v3 =	vadd.s32 s2, v0;
	[sflag:s4] =	ssyncadd.s32 $0xFFFE7900  }
0x21: {  	v4 =	vadd.s32 s2, v1;
	_ =	swait.ge [sflag:s14], $0x1770  }
0x22: {  	v5 =	vadd.s32 s2, v2;
	[sflag:s14] =	ssyncset.done $0x0  }
0x23: {  	[sflag:s14] =	ssyncadd.s32 $0xFFFFE890  }
0x24: {  	[tilespmem:s15], [sflag:$0x3] =	stream.linear.gather [hbm4b:s6+s2], $0x1770, $0x38;
	[tilespmem:$0x1CEF0] =	vst v63  }
0x25: {  	s29 =	simm.s32 $0x30;
	v3 =	vld.idx.msk [tilespmem:v3+s12+$0x0], $0xffff  }
0x26: {  	v6 =	vadd.s32 s29, v0;
	v4 =	vld.idx.msk [tilespmem:v4+s12+$0x0], $0xffff  }
0x27: {  	v7 =	vadd.s32 s29, v1;
	v5 =	vld.idx.msk [tilespmem:v5+s12+$0x0], $0xffff  }
0x28: {  	s30 =	simm.s32 $0x60;
	v8 =	vadd.s32 s29, v2  }
0x29: {  	v14 =	vadd.s32 s30, v2  }
0x2a: {  	v3 =	vshll.u32 v3, $0x1  }
0x2b: {  	v6 =	vld.idx.msk [tilespmem:v6+s12+$0x0], $0xffff;
	v4 =	vshll.u32 v4, $0x1  }
0x2c: {  	v7 =	vld.idx.msk [tilespmem:v7+s12+$0x0], $0xffff;
	v5 =	vshll.u32 v5, $0x1  }
0x2d: {  	v8 =	vld.idx.msk [tilespmem:v8+s12+$0x0], $0xffff;
	v9 =	vor.u32 $0x1, v3  }
0x2e: {  	v18 =	vld.idx.msk [tilespmem:v14+s12+$0x0], $0xffff;
	v10 =	vor.u32 $0x1, v4  }
0x2f: {  	v11 =	vor.u32 $0x1, v5;
	v3 =	vld.idx.msk [tilespmem:v3+s2+$0x0], $0xffff  }
0x30: {  	v12 =	vadd.s32 s30, v0;
	v13 =	vld.idx.msk [tilespmem:v4+s2+$0x0], $0xffff  }
0x31: {  	v6 =	vshll.u32 v6, $0x1;
	v5 =	vld.idx.msk [tilespmem:v5+s2+$0x0], $0xffff  }
0x32: {  	v4 =	vadd.s32 s30, v1;
	v9 =	vld.idx.msk [tilespmem:v9+s2+$0x0], $0xffff  }
0x33: {  	v7 =	vshll.u32 v7, $0x1;
	v10 =	vld.idx.msk [tilespmem:v10+s2+$0x0], $0xffff  }
0x34: {  	v14 =	vor.u32 $0x1, v7;
	v11 =	vld.idx.msk [tilespmem:v11+s2+$0x0], $0xffff  }
0x35: {  	v12 =	vld.idx.msk [tilespmem:v12+s12+$0x0], $0xffff;
	v16 =	vor.u32 $0x1, v6  }
0x36: {  	v15 =	vshll.u32 v8, $0x1;
	v8 =	vld.idx.msk [tilespmem:v6+s2+$0x0], $0xffff  }
0x37: {  	s31 =	simm.s32 $0x90;
	v19 =	vor.u32 $0x1, v15;
	v17 =	vld.idx.msk [tilespmem:v4+s12+$0x0], $0xffff  }
0x38: {  	v20 =	vadd.s32 s31, v0;
	v4 =	vld.idx.msk [tilespmem:v7+s2+$0x0], $0xffff;
	v13 =	vsub.f32 v13, v3;
	v21 =	vsub.f32 v5, v3  }
0x39: {  	v7 =	vld.idx.msk [tilespmem:v14+s2+$0x0], $0xffff;
	v14 =	vadd.s32 s31, v1;
	v11 =	vsub.f32 v11, v9;
	v9 =	vsub.f32 v10, v9  }
0x3a: {  	v6 =	vld.idx.msk [tilespmem:v16+s2+$0x0], $0xffff;
	v16 =	vadd.s32 s31, v2  }
0x3b: {  	v5 =	vld.idx.msk [tilespmem:v15+s2+$0x0], $0xffff;
	v10 =	vmul.f32 v11, v13;
	v21 =	vmul.f32 v21, v9  }
0x3c: {  	v3 =	vimm.f32 $0.0e+00;
	v15 =	vshll.u32 v18, $0x1;
	v9 =	vld.idx.msk [tilespmem:v19+s2+$0x0], $0xffff  }
0x3d: {  	s20 =	simm.s32 $0xC0;
	v13 =	vshll.u32 v12, $0x1;
	v11 =	vld.idx.msk [tilespmem:v20+s12+$0x0], $0xffff;
	v12 =	vshll.u32 v17, $0x1;
	v10 =	vsub.f32 v10, v21  }
.LBB2_2:
0x3e: {  	p1 =	sne.s32 s20, $0x1740;
	v17 =	vld.idx.msk [tilespmem:v14+s12+$0x0], $0xffff;
	v18 =	vor.u32 $0x1, v13  }
0x3f: {  	v20 =	vor.u32 $0x1, v12;
	v19 =	vld.idx.msk [tilespmem:v16+s12+$0x0], $0xffff;
	v10 =	vand.u32 $0x7FFFFFFF, v10  }
0x40: {  	v22 =	vor.u32 $0x1, v15;
	v21 =	vld.idx.msk [tilespmem:v13+s2+$0x0], $0xffff;
	v3 =	vadd.f32 v10, v3  }
0x41: {  	v23 =	vsub.f32 v4, v8;
	v8 =	vsub.f32 v5, v8;
	v10 =	vadd.s32 s20, v0;
	v4 =	vld.idx.msk [tilespmem:v12+s2+$0x0], $0xffff  }
.Ltmp0:
0x42: {  	v14 =	vadd.s32 s20, v1;
	v9 =	vsub.f32 v9, v6;
	v12 =	vsub.f32 v7, v6;
	v5 =	vld.idx.msk [tilespmem:v15+s2+$0x0], $0xffff;
	(pc) =	sbr.rel @p1 .LBB2_2-.Ltmp0, $4  }
0x43: {  	v16 =	vadd.s32 s20, v2;
	v6 =	vld.idx.msk [tilespmem:v18+s2+$0x0], $0xffff  }
0x44: {  	v13 =	vshll.u32 v11, $0x1;
	v18 =	vmul.f32 v9, v23;
	v7 =	vld.idx.msk [tilespmem:v20+s2+$0x0], $0xffff;
	v20 =	vmul.f32 v8, v12  }
0x45: {  	v12 =	vshll.u32 v17, $0x1;
	v9 =	vld.idx.msk [tilespmem:v22+s2+$0x0], $0xffff  }
0x46: {  	s20 =	sadd.s32 $0x30, s20;
	v15 =	vshll.u32 v19, $0x1;
	v8 =	vmov v21;
	v11 =	vld.idx.msk [tilespmem:v10+s12+$0x0], $0xffff;
	v10 =	vsub.f32 v18, v20  }
0x47: {  	_ =	sdelay $0x3  }
0x48: {  	v14 =	vld.idx.msk [tilespmem:v14+s12+$0x0], $0xffff  }
0x49: {  	v17 =	vor.u32 $0x1, v13;
	v16 =	vld.idx.msk [tilespmem:v16+s12+$0x0], $0xffff  }
0x4a: {  	v18 =	vor.u32 $0x1, v12  }
0x4b: {  	v13 =	vld.idx.msk [tilespmem:v13+s2+$0x0], $0xffff;
	v19 =	vor.u32 $0x1, v15  }
0x4c: {  	v12 =	vld.idx.msk [tilespmem:v12+s2+$0x0], $0xffff;
	v11 =	vshll.u32 v11, $0x1  }
0x4d: {  	v15 =	vld.idx.msk [tilespmem:v15+s2+$0x0], $0xffff;
	v14 =	vshll.u32 v14, $0x1  }
0x4e: {  	v17 =	vld.idx.msk [tilespmem:v17+s2+$0x0], $0xffff;
	v16 =	vshll.u32 v16, $0x1  }
0x4f: {  	v18 =	vld.idx.msk [tilespmem:v18+s2+$0x0], $0xffff;
	v20 =	vor.u32 $0x1, v11  }
0x50: {  	v19 =	vld.idx.msk [tilespmem:v19+s2+$0x0], $0xffff;
	v21 =	vor.u32 $0x1, v14  }
0x51: {  	v22 =	vor.u32 $0x1, v16;
	v11 =	vld.idx.msk [tilespmem:v11+s2+$0x0], $0xffff  }
0x52: {  	v14 =	vld.idx.msk [tilespmem:v14+s2+$0x0], $0xffff  }
0x53: {  	v16 =	vld.idx.msk [tilespmem:v16+s2+$0x0], $0xffff  }
0x54: {  	s20 =	simm.s32 $0x0;
	v20 =	vld.idx.msk [tilespmem:v20+s2+$0x0], $0xffff  }
0x55: {  	v23 =	vadd.s32 s20, v0;
	v21 =	vld.idx.msk [tilespmem:v21+s2+$0x0], $0xffff  }
0x56: {  	v25 =	vadd.s32 s20, v2;
	v22 =	vld.idx.msk [tilespmem:v22+s2+$0x0], $0xffff;
	_ =	swait.ge [sflag:s16], $0x1770  }
0x57: {  	v24 =	vadd.s32 s20, v1;
	[sflag:s16] =	ssyncset.done $0x0  }
0x58: {  	[sflag:s16] =	ssyncadd.s32 $0xFFFFE890  }
0x59: {  	v4 =	vsub.f32 v4, v8;
	[tilespmem:s12], [sflag:$0x2] =	stream.linear.gather [hbm4b:s7+s20], $0x1770, $0x38;
	[tilespmem:$0x1CEF0] =	vst v63  }
0x5a: {  	s29 =	simm.s32 $0x30;
	v5 =	vsub.f32 v5, v8;
	v8 =	vsub.f32 v9, v6;
	v23 =	vld.idx.msk [tilespmem:v23+s15+$0x0], $0xffff  }
0x5b: {  	v26 =	vadd.s32 s29, v0;
	v27 =	vadd.s32 s29, v1;
	v6 =	vsub.f32 v7, v6;
	v25 =	vld.idx.msk [tilespmem:v25+s15+$0x0], $0xffff  }
0x5c: {  	v28 =	vadd.s32 s29, v2;
	v7 =	vand.u32 $0x7FFFFFFF, v10;
	v4 =	vmul.f32 v8, v4;
	v24 =	vld.idx.msk [tilespmem:v24+s15+$0x0], $0xffff  }
0x5d: {  	s30 =	simm.s32 $0x60;
	v5 =	vmul.f32 v5, v6;
	v12 =	vsub.f32 v12, v13;
	v13 =	vsub.f32 v15, v13  }
0x5e: {  	v19 =	vsub.f32 v19, v17;
	v15 =	vsub.f32 v18, v17;
	v17 =	vadd.s32 s30, v0  }
0x5f: {  	v3 =	vadd.f32 v7, v3;
	v23 =	vshll.u32 v23, $0x1  }
0x60: {  	v4 =	vsub.f32 v4, v5;
	v5 =	vmul.f32 v19, v12;
	v10 =	vld.idx.msk [tilespmem:v26+s15+$0x0], $0xffff;
	v59 =	vshll.u32 v25, $0x1  }
0x61: {  	v13 =	vmul.f32 v13, v15;
	v7 =	vld.idx.msk [tilespmem:v27+s15+$0x0], $0xffff;
	v9 =	vshll.u32 v24, $0x1;
	v60 =	vor.u32 $0x1, v23  }
0x62: {  	v4 =	vand.u32 $0x7FFFFFFF, v4;
	v6 =	vld.idx.msk [tilespmem:v28+s15+$0x0], $0xffff;
	v8 =	vor.u32 $0x1, v9  }
0x63: {  	v3 =	vadd.f32 v4, v3;
	v4 =	vsub.f32 v5, v13;
	v13 =	vld.idx.msk [tilespmem:v17+s15+$0x0], $0xffff;
	v61 =	vor.u32 $0x1, v59  }
0x64: {  	v23 =	vld.idx.msk [tilespmem:v23+s2+$0x0], $0xffff  }
0x65: {  	v15 =	vadd.s32 s30, v2;
	v18 =	vld.idx.msk [tilespmem:v59+s2+$0x0], $0xffff  }
0x66: {  	v12 =	vadd.s32 s30, v1;
	v14 =	vsub.f32 v14, v11;
	v11 =	vsub.f32 v16, v11;
	v19 =	vld.idx.msk [tilespmem:v60+s2+$0x0], $0xffff  }
0x67: {  	v16 =	vsub.f32 v22, v20;
	v10 =	vshll.u32 v10, $0x1;
	v62 =	vld.idx.msk [tilespmem:v8+s2+$0x0], $0xffff;
	v8 =	vsub.f32 v21, v20  }
0x68: {  	v7 =	vshll.u32 v7, $0x1;
	v5 =	vshll.u32 v6, $0x1;
	v63 =	vld.idx.msk [tilespmem:v61+s2+$0x0], $0xffff  }
0x69: {  	s31 =	simm.s32 $0x90;
	v6 =	vmul.f32 v16, v14;
	v14 =	vor.u32 $0x1, v7;
	v9 =	vld.idx.msk [tilespmem:v9+s2+$0x0], $0xffff;
	v8 =	vmul.f32 v11, v8  }
0x6a: {  	v17 =	vadd.s32 s31, v0;
	v15 =	vld.idx.msk [tilespmem:v15+s15+$0x0], $0xffff  }
0x6b: {  	v4 =	vand.u32 $0x7FFFFFFF, v4;
	v11 =	vld.idx.msk [tilespmem:v12+s15+$0x0], $0xffff;
	v12 =	vor.u32 $0x1, v10;
	v6 =	vsub.f32 v6, v8  }
0x6c: {  	v3 =	vadd.f32 v4, v3;
	v8 =	vld.idx.msk [tilespmem:v10+s2+$0x0], $0xffff;
	v10 =	vor.u32 $0x1, v5;
	v16 =	vsub.f32 v18, v23  }
0x6d: {  	v4 =	vld.idx.msk [tilespmem:v7+s2+$0x0], $0xffff;
	v18 =	vsub.f32 v63, v19;
	v19 =	vsub.f32 v62, v19;
	v7 =	vand.u32 $0x7FFFFFFF, v6  }
0x6e: {  	v9 =	vsub.f32 v9, v23;
	v3 =	vadd.f32 v7, v3;
	v7 =	vld.idx.msk [tilespmem:v14+s2+$0x0], $0xffff;
	v14 =	vadd.s32 s31, v1  }
0x6f: {  	v5 =	vld.idx.msk [tilespmem:v5+s2+$0x0], $0xffff;
	v19 =	vmul.f32 v16, v19;
	v16 =	vadd.s32 s31, v2  }
0x70: {  	v6 =	vld.idx.msk [tilespmem:v12+s2+$0x0], $0xffff;
	v18 =	vmul.f32 v18, v9  }
0x71: {  	v12 =	vshll.u32 v11, $0x1;
	v11 =	vld.idx.msk [tilespmem:v17+s15+$0x0], $0xffff  }
0x72: {  	s20 =	simm.s32 $0xC0;
	v13 =	vshll.u32 v13, $0x1;
	v15 =	vshll.u32 v15, $0x1;
	v9 =	vld.idx.msk [tilespmem:v10+s2+$0x0], $0xffff;
	v10 =	vsub.f32 v18, v19  }
.LBB2_4:
0x73: {  	p1 =	sne.s32 s20, $0x1740;
	v17 =	vld.idx.msk [tilespmem:v14+s15+$0x0], $0xffff;
	v18 =	vor.u32 $0x1, v13  }
0x74: {  	v20 =	vor.u32 $0x1, v12;
	v19 =	vld.idx.msk [tilespmem:v16+s15+$0x0], $0xffff;
	v10 =	vand.u32 $0x7FFFFFFF, v10  }
0x75: {  	v22 =	vor.u32 $0x1, v15;
	v21 =	vld.idx.msk [tilespmem:v13+s2+$0x0], $0xffff;
	v3 =	vadd.f32 v10, v3  }
0x76: {  	v23 =	vsub.f32 v4, v8;
	v8 =	vsub.f32 v5, v8;
	v10 =	vadd.s32 s20, v0;
	v4 =	vld.idx.msk [tilespmem:v12+s2+$0x0], $0xffff  }
.Ltmp1:
0x77: {  	v14 =	vadd.s32 s20, v1;
	v9 =	vsub.f32 v9, v6;
	v12 =	vsub.f32 v7, v6;
	v5 =	vld.idx.msk [tilespmem:v15+s2+$0x0], $0xffff;
	(pc) =	sbr.rel @p1 .LBB2_4-.Ltmp1, $4  }
0x78: {  	v16 =	vadd.s32 s20, v2;
	v6 =	vld.idx.msk [tilespmem:v18+s2+$0x0], $0xffff  }
0x79: {  	v13 =	vshll.u32 v11, $0x1;
	v18 =	vmul.f32 v9, v23;
	v7 =	vld.idx.msk [tilespmem:v20+s2+$0x0], $0xffff;
	v20 =	vmul.f32 v8, v12  }
0x7a: {  	v12 =	vshll.u32 v17, $0x1;
	v9 =	vld.idx.msk [tilespmem:v22+s2+$0x0], $0xffff  }
0x7b: {  	s20 =	sadd.s32 $0x30, s20;
	v15 =	vshll.u32 v19, $0x1;
	v8 =	vmov v21;
	v11 =	vld.idx.msk [tilespmem:v10+s15+$0x0], $0xffff;
	v10 =	vsub.f32 v18, v20  }
0x7c: {  	_ =	sdelay $0x3  }
0x7d: {  	v14 =	vld.idx.msk [tilespmem:v14+s15+$0x0], $0xffff  }
0x7e: {  	v17 =	vor.u32 $0x1, v13;
	v16 =	vld.idx.msk [tilespmem:v16+s15+$0x0], $0xffff  }
0x7f: {  	v18 =	vor.u32 $0x1, v12  }
0x80: {  	v13 =	vld.idx.msk [tilespmem:v13+s2+$0x0], $0xffff;
	v19 =	vor.u32 $0x1, v15  }
0x81: {  	v12 =	vld.idx.msk [tilespmem:v12+s2+$0x0], $0xffff;
	v11 =	vshll.u32 v11, $0x1  }
0x82: {  	v15 =	vld.idx.msk [tilespmem:v15+s2+$0x0], $0xffff;
	v14 =	vshll.u32 v14, $0x1  }
0x83: {  	v17 =	vld.idx.msk [tilespmem:v17+s2+$0x0], $0xffff;
	v16 =	vshll.u32 v16, $0x1  }
0x84: {  	v18 =	vld.idx.msk [tilespmem:v18+s2+$0x0], $0xffff;
	v20 =	vor.u32 $0x1, v11  }
0x85: {  	v19 =	vld.idx.msk [tilespmem:v19+s2+$0x0], $0xffff;
	v21 =	vor.u32 $0x1, v14  }
0x86: {  	v22 =	vor.u32 $0x1, v16;
	v11 =	vld.idx.msk [tilespmem:v11+s2+$0x0], $0xffff  }
0x87: {  	v14 =	vld.idx.msk [tilespmem:v14+s2+$0x0], $0xffff  }
0x88: {  	v16 =	vld.idx.msk [tilespmem:v16+s2+$0x0], $0xffff  }
0x89: {  	s20 =	simm.s32 $0x0;
	v20 =	vld.idx.msk [tilespmem:v20+s2+$0x0], $0xffff  }
0x8a: {  	v23 =	vadd.s32 s20, v0;
	v21 =	vld.idx.msk [tilespmem:v21+s2+$0x0], $0xffff  }
0x8b: {  	v25 =	vadd.s32 s20, v2;
	v22 =	vld.idx.msk [tilespmem:v22+s2+$0x0], $0xffff;
	_ =	swait.ge [sflag:s14], $0x1770  }
0x8c: {  	v24 =	vadd.s32 s20, v1;
	[sflag:s14] =	ssyncset.done $0x0  }
0x8d: {  	[sflag:s14] =	ssyncadd.s32 $0xFFFFE890  }
0x8e: {  	v4 =	vsub.f32 v4, v8;
	[tilespmem:s15], [sflag:$0x3] =	stream.linear.gather [hbm4b:s8+s20], $0x1770, $0x38;
	[tilespmem:$0x1CEF0] =	vst v63  }
0x8f: {  	s29 =	simm.s32 $0x30;
	v5 =	vsub.f32 v5, v8;
	v8 =	vsub.f32 v9, v6;
	v23 =	vld.idx.msk [tilespmem:v23+s12+$0x0], $0xffff  }
0x90: {  	v26 =	vadd.s32 s29, v0;
	v27 =	vadd.s32 s29, v1;
	v6 =	vsub.f32 v7, v6;
	v25 =	vld.idx.msk [tilespmem:v25+s12+$0x0], $0xffff  }
0x91: {  	v28 =	vadd.s32 s29, v2;
	v7 =	vand.u32 $0x7FFFFFFF, v10;
	v4 =	vmul.f32 v8, v4;
	v24 =	vld.idx.msk [tilespmem:v24+s12+$0x0], $0xffff  }
0x92: {  	s30 =	simm.s32 $0x60;
	v5 =	vmul.f32 v5, v6;
	v12 =	vsub.f32 v12, v13;
	v13 =	vsub.f32 v15, v13  }
0x93: {  	v19 =	vsub.f32 v19, v17;
	v15 =	vsub.f32 v18, v17;
	v17 =	vadd.s32 s30, v0  }
0x94: {  	v3 =	vadd.f32 v7, v3;
	v23 =	vshll.u32 v23, $0x1  }
0x95: {  	v4 =	vsub.f32 v4, v5;
	v5 =	vmul.f32 v19, v12;
	v10 =	vld.idx.msk [tilespmem:v26+s12+$0x0], $0xffff;
	v59 =	vshll.u32 v25, $0x1  }
0x96: {  	v13 =	vmul.f32 v13, v15;
	v7 =	vld.idx.msk [tilespmem:v27+s12+$0x0], $0xffff;
	v9 =	vshll.u32 v24, $0x1;
	v60 =	vor.u32 $0x1, v23  }
0x97: {  	v4 =	vand.u32 $0x7FFFFFFF, v4;
	v6 =	vld.idx.msk [tilespmem:v28+s12+$0x0], $0xffff;
	v8 =	vor.u32 $0x1, v9  }
0x98: {  	v3 =	vadd.f32 v4, v3;
	v4 =	vsub.f32 v5, v13;
	v13 =	vld.idx.msk [tilespmem:v17+s12+$0x0], $0xffff;
	v61 =	vor.u32 $0x1, v59  }
0x99: {  	v23 =	vld.idx.msk [tilespmem:v23+s2+$0x0], $0xffff  }
0x9a: {  	v15 =	vadd.s32 s30, v2;
	v18 =	vld.idx.msk [tilespmem:v59+s2+$0x0], $0xffff  }
0x9b: {  	v12 =	vadd.s32 s30, v1;
	v14 =	vsub.f32 v14, v11;
	v11 =	vsub.f32 v16, v11;
	v19 =	vld.idx.msk [tilespmem:v60+s2+$0x0], $0xffff  }
0x9c: {  	v16 =	vsub.f32 v22, v20;
	v10 =	vshll.u32 v10, $0x1;
	v62 =	vld.idx.msk [tilespmem:v8+s2+$0x0], $0xffff;
	v8 =	vsub.f32 v21, v20  }
0x9d: {  	v7 =	vshll.u32 v7, $0x1;
	v5 =	vshll.u32 v6, $0x1;
	v63 =	vld.idx.msk [tilespmem:v61+s2+$0x0], $0xffff  }
0x9e: {  	s31 =	simm.s32 $0x90;
	v6 =	vmul.f32 v16, v14;
	v14 =	vor.u32 $0x1, v7;
	v9 =	vld.idx.msk [tilespmem:v9+s2+$0x0], $0xffff;
	v8 =	vmul.f32 v11, v8  }
0x9f: {  	v17 =	vadd.s32 s31, v0;
	v15 =	vld.idx.msk [tilespmem:v15+s12+$0x0], $0xffff  }
0xa0: {  	v4 =	vand.u32 $0x7FFFFFFF, v4;
	v11 =	vld.idx.msk [tilespmem:v12+s12+$0x0], $0xffff;
	v12 =	vor.u32 $0x1, v10;
	v6 =	vsub.f32 v6, v8  }
0xa1: {  	v3 =	vadd.f32 v4, v3;
	v8 =	vld.idx.msk [tilespmem:v10+s2+$0x0], $0xffff;
	v10 =	vor.u32 $0x1, v5;
	v16 =	vsub.f32 v18, v23  }
0xa2: {  	v4 =	vld.idx.msk [tilespmem:v7+s2+$0x0], $0xffff;
	v18 =	vsub.f32 v63, v19;
	v19 =	vsub.f32 v62, v19;
	v7 =	vand.u32 $0x7FFFFFFF, v6  }
0xa3: {  	v9 =	vsub.f32 v9, v23;
	v3 =	vadd.f32 v7, v3;
	v7 =	vld.idx.msk [tilespmem:v14+s2+$0x0], $0xffff;
	v14 =	vadd.s32 s31, v1  }
0xa4: {  	v5 =	vld.idx.msk [tilespmem:v5+s2+$0x0], $0xffff;
	v19 =	vmul.f32 v16, v19;
	v16 =	vadd.s32 s31, v2  }
0xa5: {  	v6 =	vld.idx.msk [tilespmem:v12+s2+$0x0], $0xffff;
	v18 =	vmul.f32 v18, v9  }
0xa6: {  	v12 =	vshll.u32 v11, $0x1;
	v11 =	vld.idx.msk [tilespmem:v17+s12+$0x0], $0xffff  }
0xa7: {  	s20 =	simm.s32 $0xC0;
	v13 =	vshll.u32 v13, $0x1;
	v15 =	vshll.u32 v15, $0x1;
	v9 =	vld.idx.msk [tilespmem:v10+s2+$0x0], $0xffff;
	v10 =	vsub.f32 v18, v19  }
.LBB2_6:
0xa8: {  	p1 =	sne.s32 s20, $0x1740;
	v17 =	vld.idx.msk [tilespmem:v14+s12+$0x0], $0xffff;
	v18 =	vor.u32 $0x1, v13  }
0xa9: {  	v20 =	vor.u32 $0x1, v12;
	v19 =	vld.idx.msk [tilespmem:v16+s12+$0x0], $0xffff;
	v10 =	vand.u32 $0x7FFFFFFF, v10  }
0xaa: {  	v22 =	vor.u32 $0x1, v15;
	v21 =	vld.idx.msk [tilespmem:v13+s2+$0x0], $0xffff;
	v3 =	vadd.f32 v10, v3  }
0xab: {  	v23 =	vsub.f32 v4, v8;
	v8 =	vsub.f32 v5, v8;
	v10 =	vadd.s32 s20, v0;
	v4 =	vld.idx.msk [tilespmem:v12+s2+$0x0], $0xffff  }
.Ltmp2:
0xac: {  	v14 =	vadd.s32 s20, v1;
	v9 =	vsub.f32 v9, v6;
	v12 =	vsub.f32 v7, v6;
	v5 =	vld.idx.msk [tilespmem:v15+s2+$0x0], $0xffff;
	(pc) =	sbr.rel @p1 .LBB2_6-.Ltmp2, $4  }
0xad: {  	v16 =	vadd.s32 s20, v2;
	v6 =	vld.idx.msk [tilespmem:v18+s2+$0x0], $0xffff  }
0xae: {  	v13 =	vshll.u32 v11, $0x1;
	v18 =	vmul.f32 v9, v23;
	v7 =	vld.idx.msk [tilespmem:v20+s2+$0x0], $0xffff;
	v20 =	vmul.f32 v8, v12  }
0xaf: {  	v12 =	vshll.u32 v17, $0x1;
	v9 =	vld.idx.msk [tilespmem:v22+s2+$0x0], $0xffff  }
0xb0: {  	s20 =	sadd.s32 $0x30, s20;
	v15 =	vshll.u32 v19, $0x1;
	v8 =	vmov v21;
	v11 =	vld.idx.msk [tilespmem:v10+s12+$0x0], $0xffff;
	v10 =	vsub.f32 v18, v20  }
0xb1: {  	_ =	sdelay $0x3  }
0xb2: {  	v14 =	vld.idx.msk [tilespmem:v14+s12+$0x0], $0xffff  }
0xb3: {  	v17 =	vor.u32 $0x1, v13;
	v16 =	vld.idx.msk [tilespmem:v16+s12+$0x0], $0xffff  }
0xb4: {  	v18 =	vor.u32 $0x1, v12  }
0xb5: {  	v13 =	vld.idx.msk [tilespmem:v13+s2+$0x0], $0xffff;
	v19 =	vor.u32 $0x1, v15  }
0xb6: {  	v12 =	vld.idx.msk [tilespmem:v12+s2+$0x0], $0xffff;
	v11 =	vshll.u32 v11, $0x1  }
0xb7: {  	v15 =	vld.idx.msk [tilespmem:v15+s2+$0x0], $0xffff;
	v14 =	vshll.u32 v14, $0x1  }
0xb8: {  	v17 =	vld.idx.msk [tilespmem:v17+s2+$0x0], $0xffff;
	v16 =	vshll.u32 v16, $0x1  }
0xb9: {  	v18 =	vld.idx.msk [tilespmem:v18+s2+$0x0], $0xffff;
	v20 =	vor.u32 $0x1, v11  }
0xba: {  	v19 =	vld.idx.msk [tilespmem:v19+s2+$0x0], $0xffff;
	v21 =	vor.u32 $0x1, v14  }
0xbb: {  	v22 =	vor.u32 $0x1, v16;
	v11 =	vld.idx.msk [tilespmem:v11+s2+$0x0], $0xffff  }
0xbc: {  	v14 =	vld.idx.msk [tilespmem:v14+s2+$0x0], $0xffff  }
0xbd: {  	v16 =	vld.idx.msk [tilespmem:v16+s2+$0x0], $0xffff  }
0xbe: {  	s20 =	simm.s32 $0x0;
	v20 =	vld.idx.msk [tilespmem:v20+s2+$0x0], $0xffff  }
0xbf: {  	v23 =	vadd.s32 s20, v0;
	v21 =	vld.idx.msk [tilespmem:v21+s2+$0x0], $0xffff  }
0xc0: {  	v25 =	vadd.s32 s20, v2;
	v22 =	vld.idx.msk [tilespmem:v22+s2+$0x0], $0xffff;
	_ =	swait.ge [sflag:s16], $0x1770  }
0xc1: {  	v24 =	vadd.s32 s20, v1;
	[sflag:s16] =	ssyncset.done $0x0  }
0xc2: {  	[sflag:s16] =	ssyncadd.s32 $0xFFFFE890  }
0xc3: {  	v4 =	vsub.f32 v4, v8;
	[tilespmem:s12], [sflag:$0x2] =	stream.linear.gather [hbm4b:s9+s20], $0x1770, $0x38;
	[tilespmem:$0x1CEF0] =	vst v63  }
0xc4: {  	s29 =	simm.s32 $0x30;
	v5 =	vsub.f32 v5, v8;
	v8 =	vsub.f32 v9, v6;
	v23 =	vld.idx.msk [tilespmem:v23+s15+$0x0], $0xffff  }
0xc5: {  	v26 =	vadd.s32 s29, v0;
	v27 =	vadd.s32 s29, v1;
	v6 =	vsub.f32 v7, v6;
	v25 =	vld.idx.msk [tilespmem:v25+s15+$0x0], $0xffff  }
0xc6: {  	v28 =	vadd.s32 s29, v2;
	v7 =	vand.u32 $0x7FFFFFFF, v10;
	v4 =	vmul.f32 v8, v4;
	v24 =	vld.idx.msk [tilespmem:v24+s15+$0x0], $0xffff  }
0xc7: {  	s30 =	simm.s32 $0x60;
	v5 =	vmul.f32 v5, v6;
	v12 =	vsub.f32 v12, v13;
	v13 =	vsub.f32 v15, v13  }
0xc8: {  	v19 =	vsub.f32 v19, v17;
	v15 =	vsub.f32 v18, v17;
	v17 =	vadd.s32 s30, v0  }
0xc9: {  	v3 =	vadd.f32 v7, v3;
	v23 =	vshll.u32 v23, $0x1  }
0xca: {  	v4 =	vsub.f32 v4, v5;
	v5 =	vmul.f32 v19, v12;
	v10 =	vld.idx.msk [tilespmem:v26+s15+$0x0], $0xffff;
	v59 =	vshll.u32 v25, $0x1  }
0xcb: {  	v13 =	vmul.f32 v13, v15;
	v7 =	vld.idx.msk [tilespmem:v27+s15+$0x0], $0xffff;
	v9 =	vshll.u32 v24, $0x1;
	v60 =	vor.u32 $0x1, v23  }
0xcc: {  	v4 =	vand.u32 $0x7FFFFFFF, v4;
	v6 =	vld.idx.msk [tilespmem:v28+s15+$0x0], $0xffff;
	v8 =	vor.u32 $0x1, v9  }
0xcd: {  	v3 =	vadd.f32 v4, v3;
	v4 =	vsub.f32 v5, v13;
	v13 =	vld.idx.msk [tilespmem:v17+s15+$0x0], $0xffff;
	v61 =	vor.u32 $0x1, v59  }
0xce: {  	v23 =	vld.idx.msk [tilespmem:v23+s2+$0x0], $0xffff  }
0xcf: {  	v15 =	vadd.s32 s30, v2;
	v18 =	vld.idx.msk [tilespmem:v59+s2+$0x0], $0xffff  }
0xd0: {  	v12 =	vadd.s32 s30, v1;
	v14 =	vsub.f32 v14, v11;
	v11 =	vsub.f32 v16, v11;
	v19 =	vld.idx.msk [tilespmem:v60+s2+$0x0], $0xffff  }
0xd1: {  	v16 =	vsub.f32 v22, v20;
	v10 =	vshll.u32 v10, $0x1;
	v62 =	vld.idx.msk [tilespmem:v8+s2+$0x0], $0xffff;
	v8 =	vsub.f32 v21, v20  }
0xd2: {  	v7 =	vshll.u32 v7, $0x1;
	v5 =	vshll.u32 v6, $0x1;
	v63 =	vld.idx.msk [tilespmem:v61+s2+$0x0], $0xffff  }
0xd3: {  	s31 =	simm.s32 $0x90;
	v6 =	vmul.f32 v16, v14;
	v14 =	vor.u32 $0x1, v7;
	v9 =	vld.idx.msk [tilespmem:v9+s2+$0x0], $0xffff;
	v8 =	vmul.f32 v11, v8  }
0xd4: {  	v17 =	vadd.s32 s31, v0;
	v15 =	vld.idx.msk [tilespmem:v15+s15+$0x0], $0xffff  }
0xd5: {  	v4 =	vand.u32 $0x7FFFFFFF, v4;
	v11 =	vld.idx.msk [tilespmem:v12+s15+$0x0], $0xffff;
	v12 =	vor.u32 $0x1, v10;
	v6 =	vsub.f32 v6, v8  }
0xd6: {  	v3 =	vadd.f32 v4, v3;
	v8 =	vld.idx.msk [tilespmem:v10+s2+$0x0], $0xffff;
	v10 =	vor.u32 $0x1, v5;
	v16 =	vsub.f32 v18, v23  }
0xd7: {  	v4 =	vld.idx.msk [tilespmem:v7+s2+$0x0], $0xffff;
	v18 =	vsub.f32 v63, v19;
	v19 =	vsub.f32 v62, v19;
	v7 =	vand.u32 $0x7FFFFFFF, v6  }
0xd8: {  	v9 =	vsub.f32 v9, v23;
	v3 =	vadd.f32 v7, v3;
	v7 =	vld.idx.msk [tilespmem:v14+s2+$0x0], $0xffff;
	v14 =	vadd.s32 s31, v1  }
0xd9: {  	v5 =	vld.idx.msk [tilespmem:v5+s2+$0x0], $0xffff;
	v19 =	vmul.f32 v16, v19;
	v16 =	vadd.s32 s31, v2  }
0xda: {  	v6 =	vld.idx.msk [tilespmem:v12+s2+$0x0], $0xffff;
	v18 =	vmul.f32 v18, v9  }
0xdb: {  	v12 =	vshll.u32 v11, $0x1;
	v11 =	vld.idx.msk [tilespmem:v17+s15+$0x0], $0xffff  }
0xdc: {  	s20 =	simm.s32 $0xC0;
	v13 =	vshll.u32 v13, $0x1;
	v15 =	vshll.u32 v15, $0x1;
	v9 =	vld.idx.msk [tilespmem:v10+s2+$0x0], $0xffff;
	v10 =	vsub.f32 v18, v19  }
.LBB2_8:
0xdd: {  	p1 =	sne.s32 s20, $0x1740;
	v17 =	vld.idx.msk [tilespmem:v14+s15+$0x0], $0xffff;
	v18 =	vor.u32 $0x1, v13  }
0xde: {  	v20 =	vor.u32 $0x1, v12;
	v19 =	vld.idx.msk [tilespmem:v16+s15+$0x0], $0xffff;
	v10 =	vand.u32 $0x7FFFFFFF, v10  }
0xdf: {  	v22 =	vor.u32 $0x1, v15;
	v21 =	vld.idx.msk [tilespmem:v13+s2+$0x0], $0xffff;
	v3 =	vadd.f32 v10, v3  }
0xe0: {  	v23 =	vsub.f32 v4, v8;
	v8 =	vsub.f32 v5, v8;
	v10 =	vadd.s32 s20, v0;
	v4 =	vld.idx.msk [tilespmem:v12+s2+$0x0], $0xffff  }
.Ltmp3:
0xe1: {  	v14 =	vadd.s32 s20, v1;
	v9 =	vsub.f32 v9, v6;
	v12 =	vsub.f32 v7, v6;
	v5 =	vld.idx.msk [tilespmem:v15+s2+$0x0], $0xffff;
	(pc) =	sbr.rel @p1 .LBB2_8-.Ltmp3, $4  }
0xe2: {  	v16 =	vadd.s32 s20, v2;
	v6 =	vld.idx.msk [tilespmem:v18+s2+$0x0], $0xffff  }
0xe3: {  	v13 =	vshll.u32 v11, $0x1;
	v18 =	vmul.f32 v9, v23;
	v7 =	vld.idx.msk [tilespmem:v20+s2+$0x0], $0xffff;
	v20 =	vmul.f32 v8, v12  }
0xe4: {  	v12 =	vshll.u32 v17, $0x1;
	v9 =	vld.idx.msk [tilespmem:v22+s2+$0x0], $0xffff  }
0xe5: {  	s20 =	sadd.s32 $0x30, s20;
	v15 =	vshll.u32 v19, $0x1;
	v8 =	vmov v21;
	v11 =	vld.idx.msk [tilespmem:v10+s15+$0x0], $0xffff;
	v10 =	vsub.f32 v18, v20  }
0xe6: {  	_ =	sdelay $0x3  }
0xe7: {  	v14 =	vld.idx.msk [tilespmem:v14+s15+$0x0], $0xffff  }
0xe8: {  	v17 =	vor.u32 $0x1, v13;
	v16 =	vld.idx.msk [tilespmem:v16+s15+$0x0], $0xffff  }
0xe9: {  	v18 =	vor.u32 $0x1, v12  }
0xea: {  	v13 =	vld.idx.msk [tilespmem:v13+s2+$0x0], $0xffff;
	v19 =	vor.u32 $0x1, v15  }
0xeb: {  	v12 =	vld.idx.msk [tilespmem:v12+s2+$0x0], $0xffff;
	v11 =	vshll.u32 v11, $0x1  }
0xec: {  	v15 =	vld.idx.msk [tilespmem:v15+s2+$0x0], $0xffff;
	v14 =	vshll.u32 v14, $0x1  }
0xed: {  	v17 =	vld.idx.msk [tilespmem:v17+s2+$0x0], $0xffff;
	v16 =	vshll.u32 v16, $0x1  }
0xee: {  	v18 =	vld.idx.msk [tilespmem:v18+s2+$0x0], $0xffff;
	v20 =	vor.u32 $0x1, v11  }
0xef: {  	v19 =	vld.idx.msk [tilespmem:v19+s2+$0x0], $0xffff;
	v21 =	vor.u32 $0x1, v14  }
0xf0: {  	v22 =	vor.u32 $0x1, v16;
	v11 =	vld.idx.msk [tilespmem:v11+s2+$0x0], $0xffff  }
0xf1: {  	v14 =	vld.idx.msk [tilespmem:v14+s2+$0x0], $0xffff  }
0xf2: {  	s20 =	simm.s32 $0x0;
	v16 =	vld.idx.msk [tilespmem:v16+s2+$0x0], $0xffff  }
0xf3: {  	v23 =	vadd.s32 s20, v0;
	v20 =	vld.idx.msk [tilespmem:v20+s2+$0x0], $0xffff  }
0xf4: {  	v25 =	vadd.s32 s20, v2;
	v21 =	vld.idx.msk [tilespmem:v21+s2+$0x0], $0xffff  }
0xf5: {  	v24 =	vadd.s32 s20, v1;
	v22 =	vld.idx.msk [tilespmem:v22+s2+$0x0], $0xffff;
	_ =	swait.ge [sflag:s14], $0x1770  }
0xf6: {  	[sflag:s14] =	ssyncset.done $0x0  }
0xf7: {  	v4 =	vsub.f32 v4, v8;
	[sflag:s14] =	ssyncadd.s32 $0xFFFFE890  }
0xf8: {  	s29 =	simm.s32 $0x30;
	v5 =	vsub.f32 v5, v8;
	v8 =	vsub.f32 v9, v6;
	v23 =	vld.idx.msk [tilespmem:v23+s12+$0x0], $0xffff  }
0xf9: {  	v26 =	vadd.s32 s29, v0;
	v27 =	vadd.s32 s29, v1;
	v6 =	vsub.f32 v7, v6;
	v25 =	vld.idx.msk [tilespmem:v25+s12+$0x0], $0xffff  }
0xfa: {  	v28 =	vadd.s32 s29, v2;
	v7 =	vand.u32 $0x7FFFFFFF, v10;
	v4 =	vmul.f32 v8, v4;
	v24 =	vld.idx.msk [tilespmem:v24+s12+$0x0], $0xffff  }
0xfb: {  	s30 =	simm.s32 $0x60;
	v5 =	vmul.f32 v5, v6;
	v12 =	vsub.f32 v12, v13;
	v13 =	vsub.f32 v15, v13  }
0xfc: {  	v19 =	vsub.f32 v19, v17;
	v15 =	vsub.f32 v18, v17;
	v17 =	vadd.s32 s30, v0  }
0xfd: {  	v3 =	vadd.f32 v7, v3;
	v23 =	vshll.u32 v23, $0x1  }
0xfe: {  	v4 =	vsub.f32 v4, v5;
	v5 =	vmul.f32 v19, v12;
	v10 =	vld.idx.msk [tilespmem:v26+s12+$0x0], $0xffff;
	v59 =	vshll.u32 v25, $0x1  }
0xff: {  	v13 =	vmul.f32 v13, v15;
	v7 =	vld.idx.msk [tilespmem:v27+s12+$0x0], $0xffff;
	v9 =	vshll.u32 v24, $0x1;
	v60 =	vor.u32 $0x1, v23  }
0x100: {  	v4 =	vand.u32 $0x7FFFFFFF, v4;
	v6 =	vld.idx.msk [tilespmem:v28+s12+$0x0], $0xffff;
	v8 =	vor.u32 $0x1, v9  }
0x101: {  	v3 =	vadd.f32 v4, v3;
	v4 =	vsub.f32 v5, v13;
	v13 =	vld.idx.msk [tilespmem:v17+s12+$0x0], $0xffff;
	v61 =	vor.u32 $0x1, v59  }
0x102: {  	v23 =	vld.idx.msk [tilespmem:v23+s2+$0x0], $0xffff  }
0x103: {  	v15 =	vadd.s32 s30, v2;
	v18 =	vld.idx.msk [tilespmem:v59+s2+$0x0], $0xffff  }
0x104: {  	v12 =	vadd.s32 s30, v1;
	v14 =	vsub.f32 v14, v11;
	v11 =	vsub.f32 v16, v11;
	v19 =	vld.idx.msk [tilespmem:v60+s2+$0x0], $0xffff  }
0x105: {  	v16 =	vsub.f32 v22, v20;
	v10 =	vshll.u32 v10, $0x1;
	v62 =	vld.idx.msk [tilespmem:v8+s2+$0x0], $0xffff;
	v8 =	vsub.f32 v21, v20  }
0x106: {  	v7 =	vshll.u32 v7, $0x1;
	v5 =	vshll.u32 v6, $0x1;
	v63 =	vld.idx.msk [tilespmem:v61+s2+$0x0], $0xffff  }
0x107: {  	s31 =	simm.s32 $0x90;
	v6 =	vmul.f32 v16, v14;
	v14 =	vor.u32 $0x1, v7;
	v9 =	vld.idx.msk [tilespmem:v9+s2+$0x0], $0xffff;
	v8 =	vmul.f32 v11, v8  }
0x108: {  	v17 =	vadd.s32 s31, v0;
	v15 =	vld.idx.msk [tilespmem:v15+s12+$0x0], $0xffff  }
0x109: {  	v4 =	vand.u32 $0x7FFFFFFF, v4;
	v11 =	vld.idx.msk [tilespmem:v12+s12+$0x0], $0xffff;
	v12 =	vor.u32 $0x1, v10;
	v6 =	vsub.f32 v6, v8  }
0x10a: {  	v3 =	vadd.f32 v4, v3;
	v8 =	vld.idx.msk [tilespmem:v10+s2+$0x0], $0xffff;
	v10 =	vor.u32 $0x1, v5;
	v16 =	vsub.f32 v18, v23  }
0x10b: {  	v4 =	vld.idx.msk [tilespmem:v7+s2+$0x0], $0xffff;
	v18 =	vsub.f32 v63, v19;
	v19 =	vsub.f32 v62, v19;
	v7 =	vand.u32 $0x7FFFFFFF, v6  }
0x10c: {  	v9 =	vsub.f32 v9, v23;
	v3 =	vadd.f32 v7, v3;
	v7 =	vld.idx.msk [tilespmem:v14+s2+$0x0], $0xffff;
	v14 =	vadd.s32 s31, v1  }
0x10d: {  	v5 =	vld.idx.msk [tilespmem:v5+s2+$0x0], $0xffff;
	v19 =	vmul.f32 v16, v19;
	v16 =	vadd.s32 s31, v2  }
0x10e: {  	v6 =	vld.idx.msk [tilespmem:v12+s2+$0x0], $0xffff;
	v18 =	vmul.f32 v18, v9  }
0x10f: {  	v12 =	vshll.u32 v11, $0x1;
	v11 =	vld.idx.msk [tilespmem:v17+s12+$0x0], $0xffff  }
0x110: {  	s20 =	simm.s32 $0xC0;
	v13 =	vshll.u32 v13, $0x1;
	v15 =	vshll.u32 v15, $0x1;
	v9 =	vld.idx.msk [tilespmem:v10+s2+$0x0], $0xffff;
	v10 =	vsub.f32 v18, v19  }
.LBB2_10:
0x111: {  	p1 =	sne.s32 s20, $0x1740;
	v17 =	vld.idx.msk [tilespmem:v14+s12+$0x0], $0xffff;
	v18 =	vor.u32 $0x1, v13  }
0x112: {  	v20 =	vor.u32 $0x1, v12;
	v19 =	vld.idx.msk [tilespmem:v16+s12+$0x0], $0xffff;
	v10 =	vand.u32 $0x7FFFFFFF, v10  }
0x113: {  	v22 =	vor.u32 $0x1, v15;
	v21 =	vld.idx.msk [tilespmem:v13+s2+$0x0], $0xffff;
	v3 =	vadd.f32 v10, v3  }
0x114: {  	v23 =	vsub.f32 v4, v8;
	v8 =	vsub.f32 v5, v8;
	v10 =	vadd.s32 s20, v0;
	v4 =	vld.idx.msk [tilespmem:v12+s2+$0x0], $0xffff  }
.Ltmp4:
0x115: {  	v14 =	vadd.s32 s20, v1;
	v9 =	vsub.f32 v9, v6;
	v12 =	vsub.f32 v7, v6;
	v5 =	vld.idx.msk [tilespmem:v15+s2+$0x0], $0xffff;
	(pc) =	sbr.rel @p1 .LBB2_10-.Ltmp4, $4  }
0x116: {  	v16 =	vadd.s32 s20, v2;
	v6 =	vld.idx.msk [tilespmem:v18+s2+$0x0], $0xffff  }
0x117: {  	v13 =	vshll.u32 v11, $0x1;
	v18 =	vmul.f32 v9, v23;
	v7 =	vld.idx.msk [tilespmem:v20+s2+$0x0], $0xffff;
	v20 =	vmul.f32 v8, v12  }
0x118: {  	v12 =	vshll.u32 v17, $0x1;
	v9 =	vld.idx.msk [tilespmem:v22+s2+$0x0], $0xffff  }
0x119: {  	s20 =	sadd.s32 $0x30, s20;
	v15 =	vshll.u32 v19, $0x1;
	v8 =	vmov v21;
	v11 =	vld.idx.msk [tilespmem:v10+s12+$0x0], $0xffff;
	v10 =	vsub.f32 v18, v20  }
0x11a: {  	_ =	sdelay $0x3  }
0x11b: {  	v14 =	vld.idx.msk [tilespmem:v14+s12+$0x0], $0xffff  }
0x11c: {  	v17 =	vor.u32 $0x1, v13;
	v16 =	vld.idx.msk [tilespmem:v16+s12+$0x0], $0xffff  }
0x11d: {  	v18 =	vor.u32 $0x1, v12  }
0x11e: {  	v48 =	vld.idx.msk [tilespmem:v13+s2+$0x0], $0xffff;
	v19 =	vor.u32 $0x1, v15  }
0x11f: {  	v49 =	vld.idx.msk [tilespmem:v12+s2+$0x0], $0xffff;
	v11 =	vshll.u32 v11, $0x1  }
0x120: {  	v50 =	vld.idx.msk [tilespmem:v15+s2+$0x0], $0xffff;
	v14 =	vshll.u32 v14, $0x1  }
0x121: {  	v17 =	vld.idx.msk [tilespmem:v17+s2+$0x0], $0xffff;
	v16 =	vshll.u32 v16, $0x1  }
0x122: {  	v18 =	vld.idx.msk [tilespmem:v18+s2+$0x0], $0xffff;
	v20 =	vor.u32 $0x1, v11  }
0x123: {  	v19 =	vld.idx.msk [tilespmem:v19+s2+$0x0], $0xffff;
	v21 =	vor.u32 $0x1, v14  }
0x124: {  	v22 =	vor.u32 $0x1, v16;
	v11 =	vld.idx.msk [tilespmem:v11+s2+$0x0], $0xffff  }
0x125: {  	v51 =	vld.idx.msk [tilespmem:v14+s2+$0x0], $0xffff  }
0x126: {  	v53 =	vld.idx.msk [tilespmem:v16+s2+$0x0], $0xffff  }
0x127: {  	v4 =	vsub.f32 v4, v8;
	v5 =	vsub.f32 v5, v8;
	v54 =	vld.idx.msk [tilespmem:v20+s2+$0x0], $0xffff  }
0x128: {  	v52 =	vsub.f32 v7, v6;
	v9 =	vsub.f32 v9, v6;
	v55 =	vld.idx.msk [tilespmem:v21+s2+$0x0], $0xffff  }
0x129: {  	v56 =	vld.idx.msk [tilespmem:v22+s2+$0x0], $0xffff  }
0x12a: {  	v5 =	vmul.f32 v5, v52;
	v4 =	vmul.f32 v9, v4;
	v57 =	vsub.f32 v49, v48  }
0x12b: {  	v13 =	vsub.f32 v50, v48;
	v58 =	vsub.f32 v19, v17  }
0x12c: {  	v10 =	vand.u32 $0x7FFFFFFF, v10;
	v4 =	vsub.f32 v4, v5;
	v59 =	vsub.f32 v18, v17  }
0x12d: {  	v5 =	vmul.f32 v58, v57;
	v8 =	vsub.f32 v51, v11;
	v7 =	vsub.f32 v53, v11  }
0x12e: {  	v60 =	vmul.f32 v13, v59;
	v9 =	vsub.f32 v56, v54;
	v6 =	vsub.f32 v55, v54  }
0x12f: {  	v3 =	vadd.f32 v10, v3;
	v4 =	vand.u32 $0x7FFFFFFF, v4  }
0x130: {  	v5 =	vsub.f32 v5, v60;
	v8 =	vmul.f32 v9, v8;
	v6 =	vmul.f32 v7, v6  }
0x131: {  	v3 =	vadd.f32 v4, v3  }
0x132: {  	v61 =	vand.u32 $0x7FFFFFFF, v5;
	v62 =	vsub.f32 v8, v6  }
0x133: {  	v3 =	vadd.f32 v61, v3  }
0x134: {  	v63 =	vand.u32 $0x7FFFFFFF, v62  }
0x135: {  	s19 =	sadd.s32 $0x1, s19;
	v3 =	vadd.f32 v63, v3  }
0x136: {  	p1 =	sne.s32 s19, s11  }
.Ltmp5:
0x137: {  	[tilespmem:$0x1B600] =	vst v3;
	(pc) =	sbr.rel @p1 .LBB2_1-.Ltmp5, $4  }
0x138: {  	[hbm4b:s10+s2] =	stream.linear.scatter [tilespmem:s17], [sflag:$0x4], $0x10, $0x38;
	[tilespmem:$0x1CEF0] =	vst v63  }
0x139: {  	_ =	swait.ge [sflag:s18], $0x10  }
0x13a: {  	[sflag:s18] =	ssyncset.done $0x0  }
0x13b: {  	[sflag:s18] =	ssyncadd.s32 $0xFFFFFFF0  }
0x13c: {  	_ =	sfence.sel $0x180000  }
0x13d: {  	[bflag:$0x0] =	sbarrier.arrive $0xFFFF  }
0x13e: {  	_ =	strace $0x90000047  }
0x13f: {  	s0 =	sadd.s32 @!p0 $0x100000, s0;
	[bflag:$0x2] =	sbarrier.arrive $0xFFFF  }
0x140: {  	[sflag:s0] =	ssyncadd.tile.s32 @!p0 $0x1;
	_ =	shalt  }
.Lfunc_end2:
_tile_overlayer_lowered:
.L_overlay_start_2:
0x141: {  	(tag) =	ssettag $0x2  }
0x142: {  	s0 =	rddreg [dreg:$0x0];
	s2 =	stileid.u32  }
0x143: {  	s1 =	rddreg [dreg:$0x1];
	p0 =	sne.s32 s2, $0x0  }
0x144: {  	s3 =	rddreg [dreg:$0x2];
	[bflag:$0x3] =	sbarrier.arrive $0xFFFF;
	s2 =	simm.s32 @!p0 $0x1C04  }
0x145: {  	[timem:s3], [sflag:s2] =	dma.local @!p0 [hbm:s0], s1  }
0x146: {  	s0 =	simm.s32 @!p0 $0x4  }
0x147: {  	_ =	swait.ge @!p0 [sflag:s0], s1  }
0x148: {  	s1 =	ssub.s32 @!p0 $0x0, s1;
	[sflag:s0] =	ssyncset.done @!p0 $0x0  }
0x149: {  	[sflag:s0] =	ssyncadd.s32 @!p0 s1  }
0x14a: {  	[bflag:$0x3] =	sbarrier.arrive $0xFFFF  }
0x14b: {  	_ =	shalt  }

</sc_bundles>
